<compile_context>
chip_gen: v7x
topology: tpu7x:2x2x1
jax: 0.10.2.dev20260603
libtpu: 0.0.44.dev20260713+nightly
codegen_flags: <defaults>
</compile_context>

<pallas_src>
import functools

import jax
import jax.numpy as jnp
from jax import lax
from jax.experimental import pallas as pl
from jax.experimental.pallas import tpu as pltpu
from jax.experimental.pallas import tpu_sc as plsc

NUM_CORES = 2
NUM_SUBCORES = 16
NUM_WORKERS = NUM_CORES * NUM_SUBCORES
LANE = 128


def _emb_lookup(hist: int, emb_dim: int, n_bblk: int):
    n_dblk = emb_dim // 8
    mesh = plsc.VectorSubcoreMesh(core_axis_name="c", subcore_axis_name="s")

    @functools.partial(
        pl.kernel,
        mesh=mesh,
        out_type=jax.ShapeDtypeStruct(
            (hist, n_dblk, n_bblk, 8, LANE), jnp.float32
        ),
        scratch_types=[
            pltpu.VMEM((LANE,), jnp.int32),
            pltpu.VMEM((LANE,), jnp.int32),
            pltpu.VMEM((LANE, LANE), jnp.float32),
            pltpu.VMEM((LANE, LANE), jnp.float32),
            pltpu.VMEM((emb_dim, LANE), jnp.float32),
            pltpu.VMEM((emb_dim, LANE), jnp.float32),
            pltpu.SemaphoreType.DMA,
            pltpu.SemaphoreType.DMA,
            pltpu.SemaphoreType.DMA,
            pltpu.SemaphoreType.DMA,
        ],
        compiler_params=pltpu.CompilerParams(
            use_tc_tiling_on_sc=False, needs_layout_passes=False
        ),
    )
    def body(idx_hbm, table_hbm, out_hbm,
             idx_a, idx_b, grp_a, grp_b, pl_a, pl_b, sga, sgb, soa, sob):
        w = lax.axis_index("s") * NUM_CORES + lax.axis_index("c")
        slots = ((idx_a, grp_a, pl_a, sga, soa),
                 (idx_b, grp_b, pl_b, sgb, sob))

        def stage(h, slot):
            idx_v, grp_v, _, sg, _ = slot
            pltpu.sync_copy(idx_hbm.at[h // 8, w, h % 8], idx_v)
            pltpu.async_copy(table_hbm.at[idx_v], grp_v, sg)

        def gather_wait(slot):
            idx_v, grp_v, _, sg, _ = slot
            pltpu.make_async_copy(table_hbm.at[idx_v], grp_v, sg).wait()

        def put(h, slot):
            _, _, pl_v, _, so = slot
            for g in range(n_dblk):
                pltpu.async_copy(
                    pl_v.at[pl.ds(8 * g, 8), :], out_hbm.at[h, g, w], so
                )

        def put_wait(h, slot):
            _, _, pl_v, _, so = slot
            for g in range(n_dblk):
                pltpu.make_async_copy(
                    pl_v.at[pl.ds(8 * g, 8), :], out_hbm.at[h, g, w], so
                ).wait()

        def shuffle(slot):
            _, grp_v, pl_v, _, _ = slot
            base = lax.iota(jnp.int32, 16)
            rows = [base + (j0 * 16) for j0 in range(LANE // 16)]

            @plsc.parallel_loop(0, emb_dim, unroll=4)
            def _(d):
                col = jnp.full((16,), d, jnp.int32)
                for j0 in range(LANE // 16):
                    v = plsc.load_gather(grp_v, [rows[j0], col])
                    pl_v[d, pl.ds(j0 * 16, 16)] = v

        stage(0, slots[0])

        def outer(o, carry):
            for b in (0, 1):
                h = o * 2 + b
                nxt = h + 1

                @pl.when(nxt < hist)
                def _():
                    stage(nxt, slots[1 - b])

                gather_wait(slots[b])

                @pl.when(h >= 2)
                def _():
                    put_wait(h - 2, slots[b])

                shuffle(slots[b])
                put(h, slots[b])
            return carry

        lax.fori_loop(0, hist // 2, outer, 0)
        put_wait(hist - 2, slots[0])
        put_wait(hist - 1, slots[1])

    return body


def kernel(indices, table):
    batch, hist = indices.shape
    vocab, emb_dim = table.shape
    n_bblk = batch // LANE
    hist_pad = -(-hist // 8) * 8
    n_hblk = hist_pad // 8
    idx_p = jnp.pad(indices.astype(jnp.int32), ((0, 0), (0, hist_pad - hist)))
    idx4 = idx_p.T.reshape(n_hblk, 8, n_bblk, LANE).transpose(0, 2, 1, 3)
    t2 = jnp.pad(table, ((0, 0), (0, LANE - emb_dim)))
    out5 = _emb_lookup(hist, emb_dim, n_bblk)(idx4, t2)
    out = out5.transpose(2, 4, 0, 1, 3).reshape(batch, hist, emb_dim)
    return out

# --- scband reference (transcript-rebuilt; emitter-appended) ---
"""Pipeline reference for scband-model-72490458021946 (READ-ONLY COPY).

The authoritative reference and input builder live on the scoring server;
editing this copy changes nothing except your own understanding.
"""

import jax, jax.numpy as jnp
import numpy as np

NUM_VOCAB = 1000000
EMB_DIM = 32
BATCH = 4096
HIST = 50

def setup_inputs(seed: int = 0) -> dict:
    key = jax.random.key(seed)
    k_idx, k_tab = jax.random.split(key)
    indices = jax.random.randint(k_idx, (BATCH, HIST), 0, NUM_VOCAB, dtype=jnp.int64 if jax.config.jax_enable_x64 else jnp.int32)
    table = jax.random.normal(k_tab, (NUM_VOCAB, EMB_DIM), dtype=jnp.float32) * 0.02
    # Model zeroes out the row for the padding token (index 0), matching
    # `vocab_embedding[0] = 0` in the original constructor.
    table = table.at[0].set(0.0)
    return {"indices": indices, "table": table}

def reference(indices, table):
    # torch.nn.Embedding forward == row gather from the weight table.
    return jnp.take(table, indices, axis=0)

if __name__ == "__main__":
    import jax
    _d = setup_inputs()
    print(jax.jit(kernel)(*tuple(_d.values())))

</pallas_src>

<mosaic_0001>
#map = affine_map<(d0, d1) -> (0, 0, 0, 0)>
#map1 = affine_map<(d0, d1) -> (0, 0)>
#map2 = affine_map<(d0, d1) -> (0, 0, 0, 0, 0)>
module attributes {stable_mosaic.version = 14 : i64} {
  func.func @body(%arg0: i32, %arg1: i32, %arg2: memref<7x32x8x128xi32, #tpu.memory_space<hbm>>, %arg3: memref<1000000x128xf32, #tpu.memory_space<hbm>>, %arg4: memref<50x4x32x8x128xf32, #tpu.memory_space<hbm>>, %arg5: memref<128xi32, #tpu.memory_space<vmem>>, %arg6: memref<128xi32, #tpu.memory_space<vmem>>, %arg7: memref<128x128xf32, #tpu.memory_space<vmem>>, %arg8: memref<128x128xf32, #tpu.memory_space<vmem>>, %arg9: memref<32x128xf32, #tpu.memory_space<vmem>>, %arg10: memref<32x128xf32, #tpu.memory_space<vmem>>, %arg11: memref<!tpu.dma_semaphore, #tpu.memory_space<semaphore_mem>>, %arg12: memref<!tpu.dma_semaphore, #tpu.memory_space<semaphore_mem>>, %arg13: memref<!tpu.dma_semaphore, #tpu.memory_space<semaphore_mem>>, %arg14: memref<!tpu.dma_semaphore, #tpu.memory_space<semaphore_mem>>) attributes {dimension_semantics = [#tpu.dimension_semantics<core_parallel>, #tpu.dimension_semantics<subcore_parallel>], iteration_bounds = array<i64: 2, 16>, scalar_prefetch = 0 : i64, scratch_operands = 10 : i64, tpu.core_type = #tpu.core_type<sc_vector_subcore>, window_params = [{transform_indices = #map}, {transform_indices = #map1}, {transform_indices = #map2}]} {
    %mul3A = arith.constant 2 : i32
    %mul3A_0 = arith.muli %arg1, %mul3A : i32
    %add3A = arith.addi %mul3A_0, %arg0 : i32
    %run_scoped3A = arith.constant 0 : i32
    %run_scoped3A_1 = arith.constant 0 : i32
    "tpu.region"() ({
      %run_scoped3A_136 = tpu.sem_alloc : memref<!tpu.dma_semaphore, #tpu.memory_space<semaphore_mem>>
      %dma_start3A_137 = arith.constant 0 : i32
      %dma_start3A_138 = tpu.memref_slice %arg2[%run_scoped3A, %add3A, %run_scoped3A_1, %dma_start3A_137] : memref<7x32x8x128xi32, #tpu.memory_space<hbm>> -> memref<1x1x1x128xi32, #tpu.memory_space<hbm>>
      %dma_start3A_139 = tpu.memref_squeeze %dma_start3A_138 : memref<1x1x1x128xi32, #tpu.memory_space<hbm>> -> memref<128xi32, #tpu.memory_space<hbm>>
      %dma_start3A_140 = arith.constant 0 : i32
      %dma_start3A_141 = tpu.memref_slice %arg2[%run_scoped3A, %add3A, %run_scoped3A_1, %dma_start3A_140] : memref<7x32x8x128xi32, #tpu.memory_space<hbm>> -> memref<1x1x1x128xi32, #tpu.memory_space<hbm>>
      %dma_start3A_142 = tpu.memref_squeeze %dma_start3A_141 : memref<1x1x1x128xi32, #tpu.memory_space<hbm>> -> memref<128xi32, #tpu.memory_space<hbm>>
      tpu.enqueue_dma source(%dma_start3A_142 : memref<128xi32, #tpu.memory_space<hbm>>) target(%arg5 : memref<128xi32, #tpu.memory_space<vmem>>) target_semaphore(%run_scoped3A_136 : memref<!tpu.dma_semaphore, #tpu.memory_space<semaphore_mem>>)
      %dma_wait3A_143 = arith.constant 0 : i32
      %dma_wait3A_144 = tpu.memref_slice %arg2[%run_scoped3A, %add3A, %run_scoped3A_1, %dma_wait3A_143] : memref<7x32x8x128xi32, #tpu.memory_space<hbm>> -> memref<1x1x1x128xi32, #tpu.memory_space<hbm>>
      %dma_wait3A_145 = tpu.memref_squeeze %dma_wait3A_144 : memref<1x1x1x128xi32, #tpu.memory_space<hbm>> -> memref<128xi32, #tpu.memory_space<hbm>>
      %dma_wait3A_146 = arith.constant 0 : i32
      %dma_wait3A_147 = tpu.memref_slice %arg2[%run_scoped3A, %add3A, %run_scoped3A_1, %dma_wait3A_146] : memref<7x32x8x128xi32, #tpu.memory_space<hbm>> -> memref<1x1x1x128xi32, #tpu.memory_space<hbm>>
      %dma_wait3A_148 = tpu.memref_squeeze %dma_wait3A_147 : memref<1x1x1x128xi32, #tpu.memory_space<hbm>> -> memref<128xi32, #tpu.memory_space<hbm>>
      tpu.wait_dma2 semaphore(%run_scoped3A_136 : memref<!tpu.dma_semaphore, #tpu.memory_space<semaphore_mem>>) src(%dma_wait3A_148 : memref<128xi32, #tpu.memory_space<hbm>>) dst(%arg5 : memref<128xi32, #tpu.memory_space<vmem>>)
      tpu.yield
    }) : () -> ()
    %dma_start3A = arith.constant 0 : i32
    %dma_start3A_2 = arith.constant 0 : i32
    %dma_start3A_3 = tpu.memref_slice %arg3[%dma_start3A, %dma_start3A_2] : memref<1000000x128xf32, #tpu.memory_space<hbm>> -> memref<1000000x128xf32, #tpu.memory_space<hbm>>
    tpu.enqueue_indirect_dma source(%dma_start3A_3 : memref<1000000x128xf32, #tpu.memory_space<hbm>>) target(%arg7 : memref<128x128xf32, #tpu.memory_space<vmem>>) offsets(%arg5 : memref<128xi32, #tpu.memory_space<vmem>>) semaphore(%arg11 : memref<!tpu.dma_semaphore, #tpu.memory_space<semaphore_mem>>)
    %scan3A = arith.constant 0 : i32
    %scan3A_4 = arith.constant 0 : i32
    %scan3A_5 = arith.constant 25 : i32
    %scan3A_6 = arith.addi %scan3A_4, %scan3A_5 : i32
    %scan3A_7 = arith.constant 1 : i32
    scf.for %scan3A_136 = %scan3A_4 to %scan3A_6 step %scan3A_7  : i32 {
      %mul3A_137 = arith.constant 2 : i32
      %mul3A_138 = arith.muli %scan3A_136, %mul3A_137 : i32
      %add3A_139 = arith.constant 0 : i32
      %add3A_140 = arith.addi %mul3A_138, %add3A_139 : i32
      %add3A_141 = arith.constant 1 : i32
      %add3A_142 = arith.addi %add3A_140, %add3A_141 : i32
      %lt3A = arith.constant 50 : i32
      %lt3A_143 = arith.cmpi slt, %add3A_142, %lt3A : i32
      %convert_element_type3A = arith.extui %lt3A_143 : i1 to i32
      %cond3A = arith.constant 0 : i32
      %cond3A_144 = arith.cmpi ne, %convert_element_type3A, %cond3A : i32
      scf.if %cond3A_144 {
        %jit3A = arith.constant 8 : i32
        %div3A = arith.divsi %add3A_142, %jit3A : i32
        %sign3A = arith.constant 0 : i32
        %sign3A_345 = arith.cmpi sgt, %add3A_142, %sign3A : i32
        %sign3A_346 = arith.extui %sign3A_345 : i1 to i32
        %sign3A_347 = arith.constant 0 : i32
        %sign3A_348 = arith.cmpi slt, %add3A_142, %sign3A_347 : i32
        %sign3A_349 = arith.extui %sign3A_348 : i1 to i32
        %sign3A_350 = arith.subi %sign3A_346, %sign3A_349 : i32
        %sign3A_351 = arith.constant 0 : i32
        %sign3A_352 = arith.cmpi sgt, %jit3A, %sign3A_351 : i32
        %sign3A_353 = arith.extui %sign3A_352 : i1 to i32
        %sign3A_354 = arith.constant 0 : i32
        %sign3A_355 = arith.cmpi slt, %jit3A, %sign3A_354 : i32
        %sign3A_356 = arith.extui %sign3A_355 : i1 to i32
        %sign3A_357 = arith.subi %sign3A_353, %sign3A_356 : i32
        %ne3A = arith.cmpi ne, %sign3A_350, %sign3A_357 : i32
        %rem3A = arith.remsi %add3A_142, %jit3A : i32
        %ne3A_358 = arith.constant 0 : i32
        %ne3A_359 = arith.cmpi ne, %rem3A, %ne3A_358 : i32
        %and3A = arith.andi %ne3A, %ne3A_359 : i1
        %sub3A = arith.constant 1 : i32
        %sub3A_360 = arith.subi %div3A, %sub3A : i32
        %select_n3A = arith.select %and3A, %sub3A_360, %div3A : i32
        %jit3A_361 = arith.constant 8 : i32
        %eq3A = arith.constant 0 : i32
        %eq3A_362 = arith.cmpi eq, %jit3A_361, %eq3A : i32
        %jit3A_363 = arith.constant 1 : i32
        %select_n3A_364 = arith.select %eq3A_362, %jit3A_363, %jit3A_361 : i32
        %rem3A_365 = arith.remsi %add3A_142, %select_n3A_364 : i32
        %ne3A_366 = arith.constant 0 : i32
        %ne3A_367 = arith.cmpi ne, %rem3A_365, %ne3A_366 : i32
        %lt3A_368 = arith.constant 0 : i32
        %lt3A_369 = arith.cmpi slt, %rem3A_365, %lt3A_368 : i32
        %lt3A_370 = arith.constant 0 : i32
        %lt3A_371 = arith.cmpi slt, %select_n3A_364, %lt3A_370 : i32
        %ne3A_372 = arith.xori %lt3A_369, %lt3A_371 : i1
        %and3A_373 = arith.andi %ne3A_372, %ne3A_367 : i1
        %add3A_374 = arith.addi %rem3A_365, %select_n3A_364 : i32
        %select_n3A_375 = arith.select %and3A_373, %add3A_374, %rem3A_365 : i32
        "tpu.region"() ({
          %run_scoped3A_379 = tpu.sem_alloc : memref<!tpu.dma_semaphore, #tpu.memory_space<semaphore_mem>>
          %dma_start3A_380 = arith.constant 0 : i32
          %dma_start3A_381 = tpu.memref_slice %arg2[%select_n3A, %add3A, %select_n3A_375, %dma_start3A_380] : memref<7x32x8x128xi32, #tpu.memory_space<hbm>> -> memref<1x1x1x128xi32, #tpu.memory_space<hbm>>
          %dma_start3A_382 = tpu.memref_squeeze %dma_start3A_381 : memref<1x1x1x128xi32, #tpu.memory_space<hbm>> -> memref<128xi32, #tpu.memory_space<hbm>>
          %dma_start3A_383 = arith.constant 0 : i32
          %dma_start3A_384 = tpu.memref_slice %arg2[%select_n3A, %add3A, %select_n3A_375, %dma_start3A_383] : memref<7x32x8x128xi32, #tpu.memory_space<hbm>> -> memref<1x1x1x128xi32, #tpu.memory_space<hbm>>
          %dma_start3A_385 = tpu.memref_squeeze %dma_start3A_384 : memref<1x1x1x128xi32, #tpu.memory_space<hbm>> -> memref<128xi32, #tpu.memory_space<hbm>>
          tpu.enqueue_dma source(%dma_start3A_385 : memref<128xi32, #tpu.memory_space<hbm>>) target(%arg6 : memref<128xi32, #tpu.memory_space<vmem>>) target_semaphore(%run_scoped3A_379 : memref<!tpu.dma_semaphore, #tpu.memory_space<semaphore_mem>>)
          %dma_wait3A_386 = arith.constant 0 : i32
          %dma_wait3A_387 = tpu.memref_slice %arg2[%select_n3A, %add3A, %select_n3A_375, %dma_wait3A_386] : memref<7x32x8x128xi32, #tpu.memory_space<hbm>> -> memref<1x1x1x128xi32, #tpu.memory_space<hbm>>
          %dma_wait3A_388 = tpu.memref_squeeze %dma_wait3A_387 : memref<1x1x1x128xi32, #tpu.memory_space<hbm>> -> memref<128xi32, #tpu.memory_space<hbm>>
          %dma_wait3A_389 = arith.constant 0 : i32
          %dma_wait3A_390 = tpu.memref_slice %arg2[%select_n3A, %add3A, %select_n3A_375, %dma_wait3A_389] : memref<7x32x8x128xi32, #tpu.memory_space<hbm>> -> memref<1x1x1x128xi32, #tpu.memory_space<hbm>>
          %dma_wait3A_391 = tpu.memref_squeeze %dma_wait3A_390 : memref<1x1x1x128xi32, #tpu.memory_space<hbm>> -> memref<128xi32, #tpu.memory_space<hbm>>
          tpu.wait_dma2 semaphore(%run_scoped3A_379 : memref<!tpu.dma_semaphore, #tpu.memory_space<semaphore_mem>>) src(%dma_wait3A_391 : memref<128xi32, #tpu.memory_space<hbm>>) dst(%arg6 : memref<128xi32, #tpu.memory_space<vmem>>)
          tpu.yield
        }) : () -> ()
        %dma_start3A_376 = arith.constant 0 : i32
        %dma_start3A_377 = arith.constant 0 : i32
        %dma_start3A_378 = tpu.memref_slice %arg3[%dma_start3A_376, %dma_start3A_377] : memref<1000000x128xf32, #tpu.memory_space<hbm>> -> memref<1000000x128xf32, #tpu.memory_space<hbm>>
        tpu.enqueue_indirect_dma source(%dma_start3A_378 : memref<1000000x128xf32, #tpu.memory_space<hbm>>) target(%arg8 : memref<128x128xf32, #tpu.memory_space<vmem>>) offsets(%arg6 : memref<128xi32, #tpu.memory_space<vmem>>) semaphore(%arg12 : memref<!tpu.dma_semaphore, #tpu.memory_space<semaphore_mem>>)
      } else {
      }
      %dma_wait3A_145 = arith.constant 0 : i32
      %dma_wait3A_146 = arith.constant 0 : i32
      %dma_wait3A_147 = tpu.memref_slice %arg3[%dma_wait3A_145, %dma_wait3A_146] : memref<1000000x128xf32, #tpu.memory_space<hbm>> -> memref<1000000x128xf32, #tpu.memory_space<hbm>>
      tpu.wait_indirect_dma semaphore(%arg11 : memref<!tpu.dma_semaphore, #tpu.memory_space<semaphore_mem>>) src(%dma_wait3A_147 : memref<1000000x128xf32, #tpu.memory_space<hbm>>) dst(%arg7 : memref<128x128xf32, #tpu.memory_space<vmem>>)
      %ge3A = arith.constant 2 : i32
      %ge3A_148 = arith.cmpi sge, %add3A_140, %ge3A : i32
      %convert_element_type3A_149 = arith.extui %ge3A_148 : i1 to i32
      %cond3A_150 = arith.constant 0 : i32
      %cond3A_151 = arith.cmpi ne, %convert_element_type3A_149, %cond3A_150 : i32
      scf.if %cond3A_151 {
        %sub3A = arith.constant 2 : i32
        %sub3A_345 = arith.subi %add3A_140, %sub3A : i32
        %dma_wait3A_346 = arith.constant 0 : i32
        %dma_wait3A_347 = arith.constant 0 : i32
        %dma_wait3A_348 = arith.constant 0 : i32
        %dma_wait3A_349 = tpu.memref_slice %arg9[%dma_wait3A_347, %dma_wait3A_348] : memref<32x128xf32, #tpu.memory_space<vmem>> -> memref<8x128xf32, #tpu.memory_space<vmem>>
        %dma_wait3A_350 = arith.constant 0 : i32
        %dma_wait3A_351 = arith.constant 0 : i32
        %dma_wait3A_352 = tpu.memref_slice %arg4[%sub3A_345, %dma_wait3A_346, %add3A, %dma_wait3A_350, %dma_wait3A_351] : memref<50x4x32x8x128xf32, #tpu.memory_space<hbm>> -> memref<1x1x1x8x128xf32, #tpu.memory_space<hbm>>
        %dma_wait3A_353 = tpu.memref_squeeze %dma_wait3A_352 : memref<1x1x1x8x128xf32, #tpu.memory_space<hbm>> -> memref<8x128xf32, #tpu.memory_space<hbm>>
        %dma_wait3A_354 = arith.constant 0 : i32
        %dma_wait3A_355 = arith.constant 0 : i32
        %dma_wait3A_356 = tpu.memref_slice %arg4[%sub3A_345, %dma_wait3A_346, %add3A, %dma_wait3A_354, %dma_wait3A_355] : memref<50x4x32x8x128xf32, #tpu.memory_space<hbm>> -> memref<1x1x1x8x128xf32, #tpu.memory_space<hbm>>
        %dma_wait3A_357 = tpu.memref_squeeze %dma_wait3A_356 : memref<1x1x1x8x128xf32, #tpu.memory_space<hbm>> -> memref<8x128xf32, #tpu.memory_space<hbm>>
        %dma_wait3A_358 = arith.constant 0 : i32
        %dma_wait3A_359 = arith.constant 0 : i32
        %dma_wait3A_360 = tpu.memref_slice %arg9[%dma_wait3A_358, %dma_wait3A_359] : memref<32x128xf32, #tpu.memory_space<vmem>> -> memref<8x128xf32, #tpu.memory_space<vmem>>
        tpu.wait_dma2 semaphore(%arg13 : memref<!tpu.dma_semaphore, #tpu.memory_space<semaphore_mem>>) src(%dma_wait3A_360 : memref<8x128xf32, #tpu.memory_space<vmem>>) dst(%dma_wait3A_357 : memref<8x128xf32, #tpu.memory_space<hbm>>)
        %dma_wait3A_361 = arith.constant 1 : i32
        %dma_wait3A_362 = arith.constant 8 : i32
        %dma_wait3A_363 = arith.constant 0 : i32
        %dma_wait3A_364 = tpu.memref_slice %arg9[%dma_wait3A_362, %dma_wait3A_363] : memref<32x128xf32, #tpu.memory_space<vmem>> -> memref<8x128xf32, #tpu.memory_space<vmem>>
        %dma_wait3A_365 = arith.constant 0 : i32
        %dma_wait3A_366 = arith.constant 0 : i32
        %dma_wait3A_367 = tpu.memref_slice %arg4[%sub3A_345, %dma_wait3A_361, %add3A, %dma_wait3A_365, %dma_wait3A_366] : memref<50x4x32x8x128xf32, #tpu.memory_space<hbm>> -> memref<1x1x1x8x128xf32, #tpu.memory_space<hbm>>
        %dma_wait3A_368 = tpu.memref_squeeze %dma_wait3A_367 : memref<1x1x1x8x128xf32, #tpu.memory_space<hbm>> -> memref<8x128xf32, #tpu.memory_space<hbm>>
        %dma_wait3A_369 = arith.constant 0 : i32
        %dma_wait3A_370 = arith.constant 0 : i32
        %dma_wait3A_371 = tpu.memref_slice %arg4[%sub3A_345, %dma_wait3A_361, %add3A, %dma_wait3A_369, %dma_wait3A_370] : memref<50x4x32x8x128xf32, #tpu.memory_space<hbm>> -> memref<1x1x1x8x128xf32, #tpu.memory_space<hbm>>
        %dma_wait3A_372 = tpu.memref_squeeze %dma_wait3A_371 : memref<1x1x1x8x128xf32, #tpu.memory_space<hbm>> -> memref<8x128xf32, #tpu.memory_space<hbm>>
        %dma_wait3A_373 = arith.constant 8 : i32
        %dma_wait3A_374 = arith.constant 0 : i32
        %dma_wait3A_375 = tpu.memref_slice %arg9[%dma_wait3A_373, %dma_wait3A_374] : memref<32x128xf32, #tpu.memory_space<vmem>> -> memref<8x128xf32, #tpu.memory_space<vmem>>
        tpu.wait_dma2 semaphore(%arg13 : memref<!tpu.dma_semaphore, #tpu.memory_space<semaphore_mem>>) src(%dma_wait3A_375 : memref<8x128xf32, #tpu.memory_space<vmem>>) dst(%dma_wait3A_372 : memref<8x128xf32, #tpu.memory_space<hbm>>)
        %dma_wait3A_376 = arith.constant 2 : i32
        %dma_wait3A_377 = arith.constant 16 : i32
        %dma_wait3A_378 = arith.constant 0 : i32
        %dma_wait3A_379 = tpu.memref_slice %arg9[%dma_wait3A_377, %dma_wait3A_378] : memref<32x128xf32, #tpu.memory_space<vmem>> -> memref<8x128xf32, #tpu.memory_space<vmem>>
        %dma_wait3A_380 = arith.constant 0 : i32
        %dma_wait3A_381 = arith.constant 0 : i32
        %dma_wait3A_382 = tpu.memref_slice %arg4[%sub3A_345, %dma_wait3A_376, %add3A, %dma_wait3A_380, %dma_wait3A_381] : memref<50x4x32x8x128xf32, #tpu.memory_space<hbm>> -> memref<1x1x1x8x128xf32, #tpu.memory_space<hbm>>
        %dma_wait3A_383 = tpu.memref_squeeze %dma_wait3A_382 : memref<1x1x1x8x128xf32, #tpu.memory_space<hbm>> -> memref<8x128xf32, #tpu.memory_space<hbm>>
        %dma_wait3A_384 = arith.constant 0 : i32
        %dma_wait3A_385 = arith.constant 0 : i32
        %dma_wait3A_386 = tpu.memref_slice %arg4[%sub3A_345, %dma_wait3A_376, %add3A, %dma_wait3A_384, %dma_wait3A_385] : memref<50x4x32x8x128xf32, #tpu.memory_space<hbm>> -> memref<1x1x1x8x128xf32, #tpu.memory_space<hbm>>
        %dma_wait3A_387 = tpu.memref_squeeze %dma_wait3A_386 : memref<1x1x1x8x128xf32, #tpu.memory_space<hbm>> -> memref<8x128xf32, #tpu.memory_space<hbm>>
        %dma_wait3A_388 = arith.constant 16 : i32
        %dma_wait3A_389 = arith.constant 0 : i32
        %dma_wait3A_390 = tpu.memref_slice %arg9[%dma_wait3A_388, %dma_wait3A_389] : memref<32x128xf32, #tpu.memory_space<vmem>> -> memref<8x128xf32, #tpu.memory_space<vmem>>
        tpu.wait_dma2 semaphore(%arg13 : memref<!tpu.dma_semaphore, #tpu.memory_space<semaphore_mem>>) src(%dma_wait3A_390 : memref<8x128xf32, #tpu.memory_space<vmem>>) dst(%dma_wait3A_387 : memref<8x128xf32, #tpu.memory_space<hbm>>)
        %dma_wait3A_391 = arith.constant 3 : i32
        %dma_wait3A_392 = arith.constant 24 : i32
        %dma_wait3A_393 = arith.constant 0 : i32
        %dma_wait3A_394 = tpu.memref_slice %arg9[%dma_wait3A_392, %dma_wait3A_393] : memref<32x128xf32, #tpu.memory_space<vmem>> -> memref<8x128xf32, #tpu.memory_space<vmem>>
        %dma_wait3A_395 = arith.constant 0 : i32
        %dma_wait3A_396 = arith.constant 0 : i32
        %dma_wait3A_397 = tpu.memref_slice %arg4[%sub3A_345, %dma_wait3A_391, %add3A, %dma_wait3A_395, %dma_wait3A_396] : memref<50x4x32x8x128xf32, #tpu.memory_space<hbm>> -> memref<1x1x1x8x128xf32, #tpu.memory_space<hbm>>
        %dma_wait3A_398 = tpu.memref_squeeze %dma_wait3A_397 : memref<1x1x1x8x128xf32, #tpu.memory_space<hbm>> -> memref<8x128xf32, #tpu.memory_space<hbm>>
        %dma_wait3A_399 = arith.constant 0 : i32
        %dma_wait3A_400 = arith.constant 0 : i32
        %dma_wait3A_401 = tpu.memref_slice %arg4[%sub3A_345, %dma_wait3A_391, %add3A, %dma_wait3A_399, %dma_wait3A_400] : memref<50x4x32x8x128xf32, #tpu.memory_space<hbm>> -> memref<1x1x1x8x128xf32, #tpu.memory_space<hbm>>
        %dma_wait3A_402 = tpu.memref_squeeze %dma_wait3A_401 : memref<1x1x1x8x128xf32, #tpu.memory_space<hbm>> -> memref<8x128xf32, #tpu.memory_space<hbm>>
        %dma_wait3A_403 = arith.constant 24 : i32
        %dma_wait3A_404 = arith.constant 0 : i32
        %dma_wait3A_405 = tpu.memref_slice %arg9[%dma_wait3A_403, %dma_wait3A_404] : memref<32x128xf32, #tpu.memory_space<vmem>> -> memref<8x128xf32, #tpu.memory_space<vmem>>
        tpu.wait_dma2 semaphore(%arg13 : memref<!tpu.dma_semaphore, #tpu.memory_space<semaphore_mem>>) src(%dma_wait3A_405 : memref<8x128xf32, #tpu.memory_space<vmem>>) dst(%dma_wait3A_402 : memref<8x128xf32, #tpu.memory_space<hbm>>)
      } else {
      }
      %iota3A = tpu.iota {dimensions = array<i32: 0>} : vector<16xi32>
      %add3A_152 = arith.constant 0 : i32
      %add3A_153 = vector.broadcast %add3A_152 : i32 to vector<16xi32>
      %add3A_154 = arith.addi %iota3A, %add3A_153 : vector<16xi32>
      %add3A_155 = arith.constant 16 : i32
      %add3A_156 = vector.broadcast %add3A_155 : i32 to vector<16xi32>
      %add3A_157 = arith.addi %iota3A, %add3A_156 : vector<16xi32>
      %add3A_158 = arith.constant 32 : i32
      %add3A_159 = vector.broadcast %add3A_158 : i32 to vector<16xi32>
      %add3A_160 = arith.addi %iota3A, %add3A_159 : vector<16xi32>
      %add3A_161 = arith.constant 48 : i32
      %add3A_162 = vector.broadcast %add3A_161 : i32 to vector<16xi32>
      %add3A_163 = arith.addi %iota3A, %add3A_162 : vector<16xi32>
      %add3A_164 = arith.constant 64 : i32
      %add3A_165 = vector.broadcast %add3A_164 : i32 to vector<16xi32>
      %add3A_166 = arith.addi %iota3A, %add3A_165 : vector<16xi32>
      %add3A_167 = arith.constant 80 : i32
      %add3A_168 = vector.broadcast %add3A_167 : i32 to vector<16xi32>
      %add3A_169 = arith.addi %iota3A, %add3A_168 : vector<16xi32>
      %add3A_170 = arith.constant 96 : i32
      %add3A_171 = vector.broadcast %add3A_170 : i32 to vector<16xi32>
      %add3A_172 = arith.addi %iota3A, %add3A_171 : vector<16xi32>
      %add3A_173 = arith.constant 112 : i32
      %add3A_174 = vector.broadcast %add3A_173 : i32 to vector<16xi32>
      %add3A_175 = arith.addi %iota3A, %add3A_174 : vector<16xi32>
      %parallel_loop3A = arith.constant 0 : i32
      %parallel_loop3A_176 = arith.constant 32 : i32
      %parallel_loop3A_177 = arith.constant 1 : i32
      scf.for %parallel_loop3A_345 = %parallel_loop3A to %parallel_loop3A_176 step %parallel_loop3A_177  : i32 {
        %parallel_loop3A_346 = vector.broadcast %parallel_loop3A_345 : i32 to vector<16xi32>
        %parallel_loop3A_347 = tpu.vector_load_idx %arg7[%add3A_154, %parallel_loop3A_346] : memref<128x128xf32, #tpu.memory_space<vmem>>[vector<16xi32>, vector<16xi32>], vector<16xf32>,
        %parallel_loop3A_348 = arith.index_cast %parallel_loop3A_345 : i32 to index
        %parallel_loop3A_349 = arith.constant 0 : index
        %parallel_loop3A_350 = tpu.vector_load %arg9[%parallel_loop3A_348, %parallel_loop3A_349] {strides = array<i32>} : memref<32x128xf32, #tpu.memory_space<vmem>>, vector<16xf32>,
        tpu.vector_store %arg9[%parallel_loop3A_348, %parallel_loop3A_349], %parallel_loop3A_347 {strides = array<i32>} : memref<32x128xf32, #tpu.memory_space<vmem>>, vector<16xf32>,
        %parallel_loop3A_351 = tpu.vector_load_idx %arg7[%add3A_157, %parallel_loop3A_346] : memref<128x128xf32, #tpu.memory_space<vmem>>[vector<16xi32>, vector<16xi32>], vector<16xf32>,
        %parallel_loop3A_352 = arith.index_cast %parallel_loop3A_345 : i32 to index
        %parallel_loop3A_353 = arith.constant 16 : index
        %parallel_loop3A_354 = tpu.vector_load %arg9[%parallel_loop3A_352, %parallel_loop3A_353] {strides = array<i32>} : memref<32x128xf32, #tpu.memory_space<vmem>>, vector<16xf32>,
        tpu.vector_store %arg9[%parallel_loop3A_352, %parallel_loop3A_353], %parallel_loop3A_351 {strides = array<i32>} : memref<32x128xf32, #tpu.memory_space<vmem>>, vector<16xf32>,
        %parallel_loop3A_355 = tpu.vector_load_idx %arg7[%add3A_160, %parallel_loop3A_346] : memref<128x128xf32, #tpu.memory_space<vmem>>[vector<16xi32>, vector<16xi32>], vector<16xf32>,
        %parallel_loop3A_356 = arith.index_cast %parallel_loop3A_345 : i32 to index
        %parallel_loop3A_357 = arith.constant 32 : index
        %parallel_loop3A_358 = tpu.vector_load %arg9[%parallel_loop3A_356, %parallel_loop3A_357] {strides = array<i32>} : memref<32x128xf32, #tpu.memory_space<vmem>>, vector<16xf32>,
        tpu.vector_store %arg9[%parallel_loop3A_356, %parallel_loop3A_357], %parallel_loop3A_355 {strides = array<i32>} : memref<32x128xf32, #tpu.memory_space<vmem>>, vector<16xf32>,
        %parallel_loop3A_359 = tpu.vector_load_idx %arg7[%add3A_163, %parallel_loop3A_346] : memref<128x128xf32, #tpu.memory_space<vmem>>[vector<16xi32>, vector<16xi32>], vector<16xf32>,
        %parallel_loop3A_360 = arith.index_cast %parallel_loop3A_345 : i32 to index
        %parallel_loop3A_361 = arith.constant 48 : index
        %parallel_loop3A_362 = tpu.vector_load %arg9[%parallel_loop3A_360, %parallel_loop3A_361] {strides = array<i32>} : memref<32x128xf32, #tpu.memory_space<vmem>>, vector<16xf32>,
        tpu.vector_store %arg9[%parallel_loop3A_360, %parallel_loop3A_361], %parallel_loop3A_359 {strides = array<i32>} : memref<32x128xf32, #tpu.memory_space<vmem>>, vector<16xf32>,
        %parallel_loop3A_363 = tpu.vector_load_idx %arg7[%add3A_166, %parallel_loop3A_346] : memref<128x128xf32, #tpu.memory_space<vmem>>[vector<16xi32>, vector<16xi32>], vector<16xf32>,
        %parallel_loop3A_364 = arith.index_cast %parallel_loop3A_345 : i32 to index
        %parallel_loop3A_365 = arith.constant 64 : index
        %parallel_loop3A_366 = tpu.vector_load %arg9[%parallel_loop3A_364, %parallel_loop3A_365] {strides = array<i32>} : memref<32x128xf32, #tpu.memory_space<vmem>>, vector<16xf32>,
        tpu.vector_store %arg9[%parallel_loop3A_364, %parallel_loop3A_365], %parallel_loop3A_363 {strides = array<i32>} : memref<32x128xf32, #tpu.memory_space<vmem>>, vector<16xf32>,
        %parallel_loop3A_367 = tpu.vector_load_idx %arg7[%add3A_169, %parallel_loop3A_346] : memref<128x128xf32, #tpu.memory_space<vmem>>[vector<16xi32>, vector<16xi32>], vector<16xf32>,
        %parallel_loop3A_368 = arith.index_cast %parallel_loop3A_345 : i32 to index
        %parallel_loop3A_369 = arith.constant 80 : index
        %parallel_loop3A_370 = tpu.vector_load %arg9[%parallel_loop3A_368, %parallel_loop3A_369] {strides = array<i32>} : memref<32x128xf32, #tpu.memory_space<vmem>>, vector<16xf32>,
        tpu.vector_store %arg9[%parallel_loop3A_368, %parallel_loop3A_369], %parallel_loop3A_367 {strides = array<i32>} : memref<32x128xf32, #tpu.memory_space<vmem>>, vector<16xf32>,
        %parallel_loop3A_371 = tpu.vector_load_idx %arg7[%add3A_172, %parallel_loop3A_346] : memref<128x128xf32, #tpu.memory_space<vmem>>[vector<16xi32>, vector<16xi32>], vector<16xf32>,
        %parallel_loop3A_372 = arith.index_cast %parallel_loop3A_345 : i32 to index
        %parallel_loop3A_373 = arith.constant 96 : index
        %parallel_loop3A_374 = tpu.vector_load %arg9[%parallel_loop3A_372, %parallel_loop3A_373] {strides = array<i32>} : memref<32x128xf32, #tpu.memory_space<vmem>>, vector<16xf32>,
        tpu.vector_store %arg9[%parallel_loop3A_372, %parallel_loop3A_373], %parallel_loop3A_371 {strides = array<i32>} : memref<32x128xf32, #tpu.memory_space<vmem>>, vector<16xf32>,
        %parallel_loop3A_375 = tpu.vector_load_idx %arg7[%add3A_175, %parallel_loop3A_346] : memref<128x128xf32, #tpu.memory_space<vmem>>[vector<16xi32>, vector<16xi32>], vector<16xf32>,
        %parallel_loop3A_376 = arith.index_cast %parallel_loop3A_345 : i32 to index
        %parallel_loop3A_377 = arith.constant 112 : index
        %parallel_loop3A_378 = tpu.vector_load %arg9[%parallel_loop3A_376, %parallel_loop3A_377] {strides = array<i32>} : memref<32x128xf32, #tpu.memory_space<vmem>>, vector<16xf32>,
        tpu.vector_store %arg9[%parallel_loop3A_376, %parallel_loop3A_377], %parallel_loop3A_375 {strides = array<i32>} : memref<32x128xf32, #tpu.memory_space<vmem>>, vector<16xf32>,
      } {sc.loop_unroll_factor = 4 : i64, sc.parallel_access}
      %dma_start3A_178 = arith.constant 0 : i32
      %dma_start3A_179 = arith.constant 0 : i32
      %dma_start3A_180 = arith.constant 0 : i32
      %dma_start3A_181 = tpu.memref_slice %arg9[%dma_start3A_179, %dma_start3A_180] : memref<32x128xf32, #tpu.memory_space<vmem>> -> memref<8x128xf32, #tpu.memory_space<vmem>>
      %dma_start3A_182 = arith.constant 0 : i32
      %dma_start3A_183 = arith.constant 0 : i32
      %dma_start3A_184 = tpu.memref_slice %arg4[%add3A_140, %dma_start3A_178, %add3A, %dma_start3A_182, %dma_start3A_183] : memref<50x4x32x8x128xf32, #tpu.memory_space<hbm>> -> memref<1x1x1x8x128xf32, #tpu.memory_space<hbm>>
      %dma_start3A_185 = tpu.memref_squeeze %dma_start3A_184 : memref<1x1x1x8x128xf32, #tpu.memory_space<hbm>> -> memref<8x128xf32, #tpu.memory_space<hbm>>
      %dma_start3A_186 = arith.constant 0 : i32
      %dma_start3A_187 = arith.constant 0 : i32
      %dma_start3A_188 = tpu.memref_slice %arg4[%add3A_140, %dma_start3A_178, %add3A, %dma_start3A_186, %dma_start3A_187] : memref<50x4x32x8x128xf32, #tpu.memory_space<hbm>> -> memref<1x1x1x8x128xf32, #tpu.memory_space<hbm>>
      %dma_start3A_189 = tpu.memref_squeeze %dma_start3A_188 : memref<1x1x1x8x128xf32, #tpu.memory_space<hbm>> -> memref<8x128xf32, #tpu.memory_space<hbm>>
      %dma_start3A_190 = arith.constant 0 : i32
      %dma_start3A_191 = arith.constant 0 : i32
      %dma_start3A_192 = tpu.memref_slice %arg9[%dma_start3A_190, %dma_start3A_191] : memref<32x128xf32, #tpu.memory_space<vmem>> -> memref<8x128xf32, #tpu.memory_space<vmem>>
      tpu.enqueue_dma source(%dma_start3A_192 : memref<8x128xf32, #tpu.memory_space<vmem>>) target(%dma_start3A_189 : memref<8x128xf32, #tpu.memory_space<hbm>>) target_semaphore(%arg13 : memref<!tpu.dma_semaphore, #tpu.memory_space<semaphore_mem>>)
      %dma_start3A_193 = arith.constant 1 : i32
      %dma_start3A_194 = arith.constant 8 : i32
      %dma_start3A_195 = arith.constant 0 : i32
      %dma_start3A_196 = tpu.memref_slice %arg9[%dma_start3A_194, %dma_start3A_195] : memref<32x128xf32, #tpu.memory_space<vmem>> -> memref<8x128xf32, #tpu.memory_space<vmem>>
      %dma_start3A_197 = arith.constant 0 : i32
      %dma_start3A_198 = arith.constant 0 : i32
      %dma_start3A_199 = tpu.memref_slice %arg4[%add3A_140, %dma_start3A_193, %add3A, %dma_start3A_197, %dma_start3A_198] : memref<50x4x32x8x128xf32, #tpu.memory_space<hbm>> -> memref<1x1x1x8x128xf32, #tpu.memory_space<hbm>>
      %dma_start3A_200 = tpu.memref_squeeze %dma_start3A_199 : memref<1x1x1x8x128xf32, #tpu.memory_space<hbm>> -> memref<8x128xf32, #tpu.memory_space<hbm>>
      %dma_start3A_201 = arith.constant 0 : i32
      %dma_start3A_202 = arith.constant 0 : i32
      %dma_start3A_203 = tpu.memref_slice %arg4[%add3A_140, %dma_start3A_193, %add3A, %dma_start3A_201, %dma_start3A_202] : memref<50x4x32x8x128xf32, #tpu.memory_space<hbm>> -> memref<1x1x1x8x128xf32, #tpu.memory_space<hbm>>
      %dma_start3A_204 = tpu.memref_squeeze %dma_start3A_203 : memref<1x1x1x8x128xf32, #tpu.memory_space<hbm>> -> memref<8x128xf32, #tpu.memory_space<hbm>>
      %dma_start3A_205 = arith.constant 8 : i32
      %dma_start3A_206 = arith.constant 0 : i32
      %dma_start3A_207 = tpu.memref_slice %arg9[%dma_start3A_205, %dma_start3A_206] : memref<32x128xf32, #tpu.memory_space<vmem>> -> memref<8x128xf32, #tpu.memory_space<vmem>>
      tpu.enqueue_dma source(%dma_start3A_207 : memref<8x128xf32, #tpu.memory_space<vmem>>) target(%dma_start3A_204 : memref<8x128xf32, #tpu.memory_space<hbm>>) target_semaphore(%arg13 : memref<!tpu.dma_semaphore, #tpu.memory_space<semaphore_mem>>)
      %dma_start3A_208 = arith.constant 2 : i32
      %dma_start3A_209 = arith.constant 16 : i32
      %dma_start3A_210 = arith.constant 0 : i32
      %dma_start3A_211 = tpu.memref_slice %arg9[%dma_start3A_209, %dma_start3A_210] : memref<32x128xf32, #tpu.memory_space<vmem>> -> memref<8x128xf32, #tpu.memory_space<vmem>>
      %dma_start3A_212 = arith.constant 0 : i32
      %dma_start3A_213 = arith.constant 0 : i32
      %dma_start3A_214 = tpu.memref_slice %arg4[%add3A_140, %dma_start3A_208, %add3A, %dma_start3A_212, %dma_start3A_213] : memref<50x4x32x8x128xf32, #tpu.memory_space<hbm>> -> memref<1x1x1x8x128xf32, #tpu.memory_space<hbm>>
      %dma_start3A_215 = tpu.memref_squeeze %dma_start3A_214 : memref<1x1x1x8x128xf32, #tpu.memory_space<hbm>> -> memref<8x128xf32, #tpu.memory_space<hbm>>
      %dma_start3A_216 = arith.constant 0 : i32
      %dma_start3A_217 = arith.constant 0 : i32
      %dma_start3A_218 = tpu.memref_slice %arg4[%add3A_140, %dma_start3A_208, %add3A, %dma_start3A_216, %dma_start3A_217] : memref<50x4x32x8x128xf32, #tpu.memory_space<hbm>> -> memref<1x1x1x8x128xf32, #tpu.memory_space<hbm>>
      %dma_start3A_219 = tpu.memref_squeeze %dma_start3A_218 : memref<1x1x1x8x128xf32, #tpu.memory_space<hbm>> -> memref<8x128xf32, #tpu.memory_space<hbm>>
      %dma_start3A_220 = arith.constant 16 : i32
      %dma_start3A_221 = arith.constant 0 : i32
      %dma_start3A_222 = tpu.memref_slice %arg9[%dma_start3A_220, %dma_start3A_221] : memref<32x128xf32, #tpu.memory_space<vmem>> -> memref<8x128xf32, #tpu.memory_space<vmem>>
      tpu.enqueue_dma source(%dma_start3A_222 : memref<8x128xf32, #tpu.memory_space<vmem>>) target(%dma_start3A_219 : memref<8x128xf32, #tpu.memory_space<hbm>>) target_semaphore(%arg13 : memref<!tpu.dma_semaphore, #tpu.memory_space<semaphore_mem>>)
      %dma_start3A_223 = arith.constant 3 : i32
      %dma_start3A_224 = arith.constant 24 : i32
      %dma_start3A_225 = arith.constant 0 : i32
      %dma_start3A_226 = tpu.memref_slice %arg9[%dma_start3A_224, %dma_start3A_225] : memref<32x128xf32, #tpu.memory_space<vmem>> -> memref<8x128xf32, #tpu.memory_space<vmem>>
      %dma_start3A_227 = arith.constant 0 : i32
      %dma_start3A_228 = arith.constant 0 : i32
      %dma_start3A_229 = tpu.memref_slice %arg4[%add3A_140, %dma_start3A_223, %add3A, %dma_start3A_227, %dma_start3A_228] : memref<50x4x32x8x128xf32, #tpu.memory_space<hbm>> -> memref<1x1x1x8x128xf32, #tpu.memory_space<hbm>>
      %dma_start3A_230 = tpu.memref_squeeze %dma_start3A_229 : memref<1x1x1x8x128xf32, #tpu.memory_space<hbm>> -> memref<8x128xf32, #tpu.memory_space<hbm>>
      %dma_start3A_231 = arith.constant 0 : i32
      %dma_start3A_232 = arith.constant 0 : i32
      %dma_start3A_233 = tpu.memref_slice %arg4[%add3A_140, %dma_start3A_223, %add3A, %dma_start3A_231, %dma_start3A_232] : memref<50x4x32x8x128xf32, #tpu.memory_space<hbm>> -> memref<1x1x1x8x128xf32, #tpu.memory_space<hbm>>
      %dma_start3A_234 = tpu.memref_squeeze %dma_start3A_233 : memref<1x1x1x8x128xf32, #tpu.memory_space<hbm>> -> memref<8x128xf32, #tpu.memory_space<hbm>>
      %dma_start3A_235 = arith.constant 24 : i32
      %dma_start3A_236 = arith.constant 0 : i32
      %dma_start3A_237 = tpu.memref_slice %arg9[%dma_start3A_235, %dma_start3A_236] : memref<32x128xf32, #tpu.memory_space<vmem>> -> memref<8x128xf32, #tpu.memory_space<vmem>>
      tpu.enqueue_dma source(%dma_start3A_237 : memref<8x128xf32, #tpu.memory_space<vmem>>) target(%dma_start3A_234 : memref<8x128xf32, #tpu.memory_space<hbm>>) target_semaphore(%arg13 : memref<!tpu.dma_semaphore, #tpu.memory_space<semaphore_mem>>)
      %mul3A_238 = arith.constant 2 : i32
      %mul3A_239 = arith.muli %scan3A_136, %mul3A_238 : i32
      %add3A_240 = arith.constant 1 : i32
      %add3A_241 = arith.addi %mul3A_239, %add3A_240 : i32
      %add3A_242 = arith.constant 1 : i32
      %add3A_243 = arith.addi %add3A_241, %add3A_242 : i32
      %lt3A_244 = arith.constant 50 : i32
      %lt3A_245 = arith.cmpi slt, %add3A_243, %lt3A_244 : i32
      %convert_element_type3A_246 = arith.extui %lt3A_245 : i1 to i32
      %cond3A_247 = arith.constant 0 : i32
      %cond3A_248 = arith.cmpi ne, %convert_element_type3A_246, %cond3A_247 : i32
      scf.if %cond3A_248 {
        %jit3A = arith.constant 8 : i32
        %div3A = arith.divsi %add3A_243, %jit3A : i32
        %sign3A = arith.constant 0 : i32
        %sign3A_345 = arith.cmpi sgt, %add3A_243, %sign3A : i32
        %sign3A_346 = arith.extui %sign3A_345 : i1 to i32
        %sign3A_347 = arith.constant 0 : i32
        %sign3A_348 = arith.cmpi slt, %add3A_243, %sign3A_347 : i32
        %sign3A_349 = arith.extui %sign3A_348 : i1 to i32
        %sign3A_350 = arith.subi %sign3A_346, %sign3A_349 : i32
        %sign3A_351 = arith.constant 0 : i32
        %sign3A_352 = arith.cmpi sgt, %jit3A, %sign3A_351 : i32
        %sign3A_353 = arith.extui %sign3A_352 : i1 to i32
        %sign3A_354 = arith.constant 0 : i32
        %sign3A_355 = arith.cmpi slt, %jit3A, %sign3A_354 : i32
        %sign3A_356 = arith.extui %sign3A_355 : i1 to i32
        %sign3A_357 = arith.subi %sign3A_353, %sign3A_356 : i32
        %ne3A = arith.cmpi ne, %sign3A_350, %sign3A_357 : i32
        %rem3A = arith.remsi %add3A_243, %jit3A : i32
        %ne3A_358 = arith.constant 0 : i32
        %ne3A_359 = arith.cmpi ne, %rem3A, %ne3A_358 : i32
        %and3A = arith.andi %ne3A, %ne3A_359 : i1
        %sub3A = arith.constant 1 : i32
        %sub3A_360 = arith.subi %div3A, %sub3A : i32
        %select_n3A = arith.select %and3A, %sub3A_360, %div3A : i32
        %jit3A_361 = arith.constant 8 : i32
        %eq3A = arith.constant 0 : i32
        %eq3A_362 = arith.cmpi eq, %jit3A_361, %eq3A : i32
        %jit3A_363 = arith.constant 1 : i32
        %select_n3A_364 = arith.select %eq3A_362, %jit3A_363, %jit3A_361 : i32
        %rem3A_365 = arith.remsi %add3A_243, %select_n3A_364 : i32
        %ne3A_366 = arith.constant 0 : i32
        %ne3A_367 = arith.cmpi ne, %rem3A_365, %ne3A_366 : i32
        %lt3A_368 = arith.constant 0 : i32
        %lt3A_369 = arith.cmpi slt, %rem3A_365, %lt3A_368 : i32
        %lt3A_370 = arith.constant 0 : i32
        %lt3A_371 = arith.cmpi slt, %select_n3A_364, %lt3A_370 : i32
        %ne3A_372 = arith.xori %lt3A_369, %lt3A_371 : i1
        %and3A_373 = arith.andi %ne3A_372, %ne3A_367 : i1
        %add3A_374 = arith.addi %rem3A_365, %select_n3A_364 : i32
        %select_n3A_375 = arith.select %and3A_373, %add3A_374, %rem3A_365 : i32
        "tpu.region"() ({
          %run_scoped3A_379 = tpu.sem_alloc : memref<!tpu.dma_semaphore, #tpu.memory_space<semaphore_mem>>
          %dma_start3A_380 = arith.constant 0 : i32
          %dma_start3A_381 = tpu.memref_slice %arg2[%select_n3A, %add3A, %select_n3A_375, %dma_start3A_380] : memref<7x32x8x128xi32, #tpu.memory_space<hbm>> -> memref<1x1x1x128xi32, #tpu.memory_space<hbm>>
          %dma_start3A_382 = tpu.memref_squeeze %dma_start3A_381 : memref<1x1x1x128xi32, #tpu.memory_space<hbm>> -> memref<128xi32, #tpu.memory_space<hbm>>
          %dma_start3A_383 = arith.constant 0 : i32
          %dma_start3A_384 = tpu.memref_slice %arg2[%select_n3A, %add3A, %select_n3A_375, %dma_start3A_383] : memref<7x32x8x128xi32, #tpu.memory_space<hbm>> -> memref<1x1x1x128xi32, #tpu.memory_space<hbm>>
          %dma_start3A_385 = tpu.memref_squeeze %dma_start3A_384 : memref<1x1x1x128xi32, #tpu.memory_space<hbm>> -> memref<128xi32, #tpu.memory_space<hbm>>
          tpu.enqueue_dma source(%dma_start3A_385 : memref<128xi32, #tpu.memory_space<hbm>>) target(%arg5 : memref<128xi32, #tpu.memory_space<vmem>>) target_semaphore(%run_scoped3A_379 : memref<!tpu.dma_semaphore, #tpu.memory_space<semaphore_mem>>)
          %dma_wait3A_386 = arith.constant 0 : i32
          %dma_wait3A_387 = tpu.memref_slice %arg2[%select_n3A, %add3A, %select_n3A_375, %dma_wait3A_386] : memref<7x32x8x128xi32, #tpu.memory_space<hbm>> -> memref<1x1x1x128xi32, #tpu.memory_space<hbm>>
          %dma_wait3A_388 = tpu.memref_squeeze %dma_wait3A_387 : memref<1x1x1x128xi32, #tpu.memory_space<hbm>> -> memref<128xi32, #tpu.memory_space<hbm>>
          %dma_wait3A_389 = arith.constant 0 : i32
          %dma_wait3A_390 = tpu.memref_slice %arg2[%select_n3A, %add3A, %select_n3A_375, %dma_wait3A_389] : memref<7x32x8x128xi32, #tpu.memory_space<hbm>> -> memref<1x1x1x128xi32, #tpu.memory_space<hbm>>
          %dma_wait3A_391 = tpu.memref_squeeze %dma_wait3A_390 : memref<1x1x1x128xi32, #tpu.memory_space<hbm>> -> memref<128xi32, #tpu.memory_space<hbm>>
          tpu.wait_dma2 semaphore(%run_scoped3A_379 : memref<!tpu.dma_semaphore, #tpu.memory_space<semaphore_mem>>) src(%dma_wait3A_391 : memref<128xi32, #tpu.memory_space<hbm>>) dst(%arg5 : memref<128xi32, #tpu.memory_space<vmem>>)
          tpu.yield
        }) : () -> ()
        %dma_start3A_376 = arith.constant 0 : i32
        %dma_start3A_377 = arith.constant 0 : i32
        %dma_start3A_378 = tpu.memref_slice %arg3[%dma_start3A_376, %dma_start3A_377] : memref<1000000x128xf32, #tpu.memory_space<hbm>> -> memref<1000000x128xf32, #tpu.memory_space<hbm>>
        tpu.enqueue_indirect_dma source(%dma_start3A_378 : memref<1000000x128xf32, #tpu.memory_space<hbm>>) target(%arg7 : memref<128x128xf32, #tpu.memory_space<vmem>>) offsets(%arg5 : memref<128xi32, #tpu.memory_space<vmem>>) semaphore(%arg11 : memref<!tpu.dma_semaphore, #tpu.memory_space<semaphore_mem>>)
      } else {
      }
      %dma_wait3A_249 = arith.constant 0 : i32
      %dma_wait3A_250 = arith.constant 0 : i32
      %dma_wait3A_251 = tpu.memref_slice %arg3[%dma_wait3A_249, %dma_wait3A_250] : memref<1000000x128xf32, #tpu.memory_space<hbm>> -> memref<1000000x128xf32, #tpu.memory_space<hbm>>
      tpu.wait_indirect_dma semaphore(%arg12 : memref<!tpu.dma_semaphore, #tpu.memory_space<semaphore_mem>>) src(%dma_wait3A_251 : memref<1000000x128xf32, #tpu.memory_space<hbm>>) dst(%arg8 : memref<128x128xf32, #tpu.memory_space<vmem>>)
      %ge3A_252 = arith.constant 2 : i32
      %ge3A_253 = arith.cmpi sge, %add3A_241, %ge3A_252 : i32
      %convert_element_type3A_254 = arith.extui %ge3A_253 : i1 to i32
      %cond3A_255 = arith.constant 0 : i32
      %cond3A_256 = arith.cmpi ne, %convert_element_type3A_254, %cond3A_255 : i32
      scf.if %cond3A_256 {
        %sub3A = arith.constant 2 : i32
        %sub3A_345 = arith.subi %add3A_241, %sub3A : i32
        %dma_wait3A_346 = arith.constant 0 : i32
        %dma_wait3A_347 = arith.constant 0 : i32
        %dma_wait3A_348 = arith.constant 0 : i32
        %dma_wait3A_349 = tpu.memref_slice %arg10[%dma_wait3A_347, %dma_wait3A_348] : memref<32x128xf32, #tpu.memory_space<vmem>> -> memref<8x128xf32, #tpu.memory_space<vmem>>
        %dma_wait3A_350 = arith.constant 0 : i32
        %dma_wait3A_351 = arith.constant 0 : i32
        %dma_wait3A_352 = tpu.memref_slice %arg4[%sub3A_345, %dma_wait3A_346, %add3A, %dma_wait3A_350, %dma_wait3A_351] : memref<50x4x32x8x128xf32, #tpu.memory_space<hbm>> -> memref<1x1x1x8x128xf32, #tpu.memory_space<hbm>>
        %dma_wait3A_353 = tpu.memref_squeeze %dma_wait3A_352 : memref<1x1x1x8x128xf32, #tpu.memory_space<hbm>> -> memref<8x128xf32, #tpu.memory_space<hbm>>
        %dma_wait3A_354 = arith.constant 0 : i32
        %dma_wait3A_355 = arith.constant 0 : i32
        %dma_wait3A_356 = tpu.memref_slice %arg4[%sub3A_345, %dma_wait3A_346, %add3A, %dma_wait3A_354, %dma_wait3A_355] : memref<50x4x32x8x128xf32, #tpu.memory_space<hbm>> -> memref<1x1x1x8x128xf32, #tpu.memory_space<hbm>>
        %dma_wait3A_357 = tpu.memref_squeeze %dma_wait3A_356 : memref<1x1x1x8x128xf32, #tpu.memory_space<hbm>> -> memref<8x128xf32, #tpu.memory_space<hbm>>
        %dma_wait3A_358 = arith.constant 0 : i32
        %dma_wait3A_359 = arith.constant 0 : i32
        %dma_wait3A_360 = tpu.memref_slice %arg10[%dma_wait3A_358, %dma_wait3A_359] : memref<32x128xf32, #tpu.memory_space<vmem>> -> memref<8x128xf32, #tpu.memory_space<vmem>>
        tpu.wait_dma2 semaphore(%arg14 : memref<!tpu.dma_semaphore, #tpu.memory_space<semaphore_mem>>) src(%dma_wait3A_360 : memref<8x128xf32, #tpu.memory_space<vmem>>) dst(%dma_wait3A_357 : memref<8x128xf32, #tpu.memory_space<hbm>>)
        %dma_wait3A_361 = arith.constant 1 : i32
        %dma_wait3A_362 = arith.constant 8 : i32
        %dma_wait3A_363 = arith.constant 0 : i32
        %dma_wait3A_364 = tpu.memref_slice %arg10[%dma_wait3A_362, %dma_wait3A_363] : memref<32x128xf32, #tpu.memory_space<vmem>> -> memref<8x128xf32, #tpu.memory_space<vmem>>
        %dma_wait3A_365 = arith.constant 0 : i32
        %dma_wait3A_366 = arith.constant 0 : i32
        %dma_wait3A_367 = tpu.memref_slice %arg4[%sub3A_345, %dma_wait3A_361, %add3A, %dma_wait3A_365, %dma_wait3A_366] : memref<50x4x32x8x128xf32, #tpu.memory_space<hbm>> -> memref<1x1x1x8x128xf32, #tpu.memory_space<hbm>>
        %dma_wait3A_368 = tpu.memref_squeeze %dma_wait3A_367 : memref<1x1x1x8x128xf32, #tpu.memory_space<hbm>> -> memref<8x128xf32, #tpu.memory_space<hbm>>
        %dma_wait3A_369 = arith.constant 0 : i32
        %dma_wait3A_370 = arith.constant 0 : i32
        %dma_wait3A_371 = tpu.memref_slice %arg4[%sub3A_345, %dma_wait3A_361, %add3A, %dma_wait3A_369, %dma_wait3A_370] : memref<50x4x32x8x128xf32, #tpu.memory_space<hbm>> -> memref<1x1x1x8x128xf32, #tpu.memory_space<hbm>>
        %dma_wait3A_372 = tpu.memref_squeeze %dma_wait3A_371 : memref<1x1x1x8x128xf32, #tpu.memory_space<hbm>> -> memref<8x128xf32, #tpu.memory_space<hbm>>
        %dma_wait3A_373 = arith.constant 8 : i32
        %dma_wait3A_374 = arith.constant 0 : i32
        %dma_wait3A_375 = tpu.memref_slice %arg10[%dma_wait3A_373, %dma_wait3A_374] : memref<32x128xf32, #tpu.memory_space<vmem>> -> memref<8x128xf32, #tpu.memory_space<vmem>>
        tpu.wait_dma2 semaphore(%arg14 : memref<!tpu.dma_semaphore, #tpu.memory_space<semaphore_mem>>) src(%dma_wait3A_375 : memref<8x128xf32, #tpu.memory_space<vmem>>) dst(%dma_wait3A_372 : memref<8x128xf32, #tpu.memory_space<hbm>>)
        %dma_wait3A_376 = arith.constant 2 : i32
        %dma_wait3A_377 = arith.constant 16 : i32
        %dma_wait3A_378 = arith.constant 0 : i32
        %dma_wait3A_379 = tpu.memref_slice %arg10[%dma_wait3A_377, %dma_wait3A_378] : memref<32x128xf32, #tpu.memory_space<vmem>> -> memref<8x128xf32, #tpu.memory_space<vmem>>
        %dma_wait3A_380 = arith.constant 0 : i32
        %dma_wait3A_381 = arith.constant 0 : i32
        %dma_wait3A_382 = tpu.memref_slice %arg4[%sub3A_345, %dma_wait3A_376, %add3A, %dma_wait3A_380, %dma_wait3A_381] : memref<50x4x32x8x128xf32, #tpu.memory_space<hbm>> -> memref<1x1x1x8x128xf32, #tpu.memory_space<hbm>>
        %dma_wait3A_383 = tpu.memref_squeeze %dma_wait3A_382 : memref<1x1x1x8x128xf32, #tpu.memory_space<hbm>> -> memref<8x128xf32, #tpu.memory_space<hbm>>
        %dma_wait3A_384 = arith.constant 0 : i32
        %dma_wait3A_385 = arith.constant 0 : i32
        %dma_wait3A_386 = tpu.memref_slice %arg4[%sub3A_345, %dma_wait3A_376, %add3A, %dma_wait3A_384, %dma_wait3A_385] : memref<50x4x32x8x128xf32, #tpu.memory_space<hbm>> -> memref<1x1x1x8x128xf32, #tpu.memory_space<hbm>>
        %dma_wait3A_387 = tpu.memref_squeeze %dma_wait3A_386 : memref<1x1x1x8x128xf32, #tpu.memory_space<hbm>> -> memref<8x128xf32, #tpu.memory_space<hbm>>
        %dma_wait3A_388 = arith.constant 16 : i32
        %dma_wait3A_389 = arith.constant 0 : i32
        %dma_wait3A_390 = tpu.memref_slice %arg10[%dma_wait3A_388, %dma_wait3A_389] : memref<32x128xf32, #tpu.memory_space<vmem>> -> memref<8x128xf32, #tpu.memory_space<vmem>>
        tpu.wait_dma2 semaphore(%arg14 : memref<!tpu.dma_semaphore, #tpu.memory_space<semaphore_mem>>) src(%dma_wait3A_390 : memref<8x128xf32, #tpu.memory_space<vmem>>) dst(%dma_wait3A_387 : memref<8x128xf32, #tpu.memory_space<hbm>>)
        %dma_wait3A_391 = arith.constant 3 : i32
        %dma_wait3A_392 = arith.constant 24 : i32
        %dma_wait3A_393 = arith.constant 0 : i32
        %dma_wait3A_394 = tpu.memref_slice %arg10[%dma_wait3A_392, %dma_wait3A_393] : memref<32x128xf32, #tpu.memory_space<vmem>> -> memref<8x128xf32, #tpu.memory_space<vmem>>
        %dma_wait3A_395 = arith.constant 0 : i32
        %dma_wait3A_396 = arith.constant 0 : i32
        %dma_wait3A_397 = tpu.memref_slice %arg4[%sub3A_345, %dma_wait3A_391, %add3A, %dma_wait3A_395, %dma_wait3A_396] : memref<50x4x32x8x128xf32, #tpu.memory_space<hbm>> -> memref<1x1x1x8x128xf32, #tpu.memory_space<hbm>>
        %dma_wait3A_398 = tpu.memref_squeeze %dma_wait3A_397 : memref<1x1x1x8x128xf32, #tpu.memory_space<hbm>> -> memref<8x128xf32, #tpu.memory_space<hbm>>
        %dma_wait3A_399 = arith.constant 0 : i32
        %dma_wait3A_400 = arith.constant 0 : i32
        %dma_wait3A_401 = tpu.memref_slice %arg4[%sub3A_345, %dma_wait3A_391, %add3A, %dma_wait3A_399, %dma_wait3A_400] : memref<50x4x32x8x128xf32, #tpu.memory_space<hbm>> -> memref<1x1x1x8x128xf32, #tpu.memory_space<hbm>>
        %dma_wait3A_402 = tpu.memref_squeeze %dma_wait3A_401 : memref<1x1x1x8x128xf32, #tpu.memory_space<hbm>> -> memref<8x128xf32, #tpu.memory_space<hbm>>
        %dma_wait3A_403 = arith.constant 24 : i32
        %dma_wait3A_404 = arith.constant 0 : i32
        %dma_wait3A_405 = tpu.memref_slice %arg10[%dma_wait3A_403, %dma_wait3A_404] : memref<32x128xf32, #tpu.memory_space<vmem>> -> memref<8x128xf32, #tpu.memory_space<vmem>>
        tpu.wait_dma2 semaphore(%arg14 : memref<!tpu.dma_semaphore, #tpu.memory_space<semaphore_mem>>) src(%dma_wait3A_405 : memref<8x128xf32, #tpu.memory_space<vmem>>) dst(%dma_wait3A_402 : memref<8x128xf32, #tpu.memory_space<hbm>>)
      } else {
      }
      %iota3A_257 = tpu.iota {dimensions = array<i32: 0>} : vector<16xi32>
      %add3A_258 = arith.constant 0 : i32
      %add3A_259 = vector.broadcast %add3A_258 : i32 to vector<16xi32>
      %add3A_260 = arith.addi %iota3A_257, %add3A_259 : vector<16xi32>
      %add3A_261 = arith.constant 16 : i32
      %add3A_262 = vector.broadcast %add3A_261 : i32 to vector<16xi32>
      %add3A_263 = arith.addi %iota3A_257, %add3A_262 : vector<16xi32>
      %add3A_264 = arith.constant 32 : i32
      %add3A_265 = vector.broadcast %add3A_264 : i32 to vector<16xi32>
      %add3A_266 = arith.addi %iota3A_257, %add3A_265 : vector<16xi32>
      %add3A_267 = arith.constant 48 : i32
      %add3A_268 = vector.broadcast %add3A_267 : i32 to vector<16xi32>
      %add3A_269 = arith.addi %iota3A_257, %add3A_268 : vector<16xi32>
      %add3A_270 = arith.constant 64 : i32
      %add3A_271 = vector.broadcast %add3A_270 : i32 to vector<16xi32>
      %add3A_272 = arith.addi %iota3A_257, %add3A_271 : vector<16xi32>
      %add3A_273 = arith.constant 80 : i32
      %add3A_274 = vector.broadcast %add3A_273 : i32 to vector<16xi32>
      %add3A_275 = arith.addi %iota3A_257, %add3A_274 : vector<16xi32>
      %add3A_276 = arith.constant 96 : i32
      %add3A_277 = vector.broadcast %add3A_276 : i32 to vector<16xi32>
      %add3A_278 = arith.addi %iota3A_257, %add3A_277 : vector<16xi32>
      %add3A_279 = arith.constant 112 : i32
      %add3A_280 = vector.broadcast %add3A_279 : i32 to vector<16xi32>
      %add3A_281 = arith.addi %iota3A_257, %add3A_280 : vector<16xi32>
      %parallel_loop3A_282 = arith.constant 0 : i32
      %parallel_loop3A_283 = arith.constant 32 : i32
      %parallel_loop3A_284 = arith.constant 1 : i32
      scf.for %parallel_loop3A_345 = %parallel_loop3A_282 to %parallel_loop3A_283 step %parallel_loop3A_284  : i32 {
        %parallel_loop3A_346 = vector.broadcast %parallel_loop3A_345 : i32 to vector<16xi32>
        %parallel_loop3A_347 = tpu.vector_load_idx %arg8[%add3A_260, %parallel_loop3A_346] : memref<128x128xf32, #tpu.memory_space<vmem>>[vector<16xi32>, vector<16xi32>], vector<16xf32>,
        %parallel_loop3A_348 = arith.index_cast %parallel_loop3A_345 : i32 to index
        %parallel_loop3A_349 = arith.constant 0 : index
        %parallel_loop3A_350 = tpu.vector_load %arg10[%parallel_loop3A_348, %parallel_loop3A_349] {strides = array<i32>} : memref<32x128xf32, #tpu.memory_space<vmem>>, vector<16xf32>,
        tpu.vector_store %arg10[%parallel_loop3A_348, %parallel_loop3A_349], %parallel_loop3A_347 {strides = array<i32>} : memref<32x128xf32, #tpu.memory_space<vmem>>, vector<16xf32>,
        %parallel_loop3A_351 = tpu.vector_load_idx %arg8[%add3A_263, %parallel_loop3A_346] : memref<128x128xf32, #tpu.memory_space<vmem>>[vector<16xi32>, vector<16xi32>], vector<16xf32>,
        %parallel_loop3A_352 = arith.index_cast %parallel_loop3A_345 : i32 to index
        %parallel_loop3A_353 = arith.constant 16 : index
        %parallel_loop3A_354 = tpu.vector_load %arg10[%parallel_loop3A_352, %parallel_loop3A_353] {strides = array<i32>} : memref<32x128xf32, #tpu.memory_space<vmem>>, vector<16xf32>,
        tpu.vector_store %arg10[%parallel_loop3A_352, %parallel_loop3A_353], %parallel_loop3A_351 {strides = array<i32>} : memref<32x128xf32, #tpu.memory_space<vmem>>, vector<16xf32>,
        %parallel_loop3A_355 = tpu.vector_load_idx %arg8[%add3A_266, %parallel_loop3A_346] : memref<128x128xf32, #tpu.memory_space<vmem>>[vector<16xi32>, vector<16xi32>], vector<16xf32>,
        %parallel_loop3A_356 = arith.index_cast %parallel_loop3A_345 : i32 to index
        %parallel_loop3A_357 = arith.constant 32 : index
        %parallel_loop3A_358 = tpu.vector_load %arg10[%parallel_loop3A_356, %parallel_loop3A_357] {strides = array<i32>} : memref<32x128xf32, #tpu.memory_space<vmem>>, vector<16xf32>,
        tpu.vector_store %arg10[%parallel_loop3A_356, %parallel_loop3A_357], %parallel_loop3A_355 {strides = array<i32>} : memref<32x128xf32, #tpu.memory_space<vmem>>, vector<16xf32>,
        %parallel_loop3A_359 = tpu.vector_load_idx %arg8[%add3A_269, %parallel_loop3A_346] : memref<128x128xf32, #tpu.memory_space<vmem>>[vector<16xi32>, vector<16xi32>], vector<16xf32>,
        %parallel_loop3A_360 = arith.index_cast %parallel_loop3A_345 : i32 to index
        %parallel_loop3A_361 = arith.constant 48 : index
        %parallel_loop3A_362 = tpu.vector_load %arg10[%parallel_loop3A_360, %parallel_loop3A_361] {strides = array<i32>} : memref<32x128xf32, #tpu.memory_space<vmem>>, vector<16xf32>,
        tpu.vector_store %arg10[%parallel_loop3A_360, %parallel_loop3A_361], %parallel_loop3A_359 {strides = array<i32>} : memref<32x128xf32, #tpu.memory_space<vmem>>, vector<16xf32>,
        %parallel_loop3A_363 = tpu.vector_load_idx %arg8[%add3A_272, %parallel_loop3A_346] : memref<128x128xf32, #tpu.memory_space<vmem>>[vector<16xi32>, vector<16xi32>], vector<16xf32>,
        %parallel_loop3A_364 = arith.index_cast %parallel_loop3A_345 : i32 to index
        %parallel_loop3A_365 = arith.constant 64 : index
        %parallel_loop3A_366 = tpu.vector_load %arg10[%parallel_loop3A_364, %parallel_loop3A_365] {strides = array<i32>} : memref<32x128xf32, #tpu.memory_space<vmem>>, vector<16xf32>,
        tpu.vector_store %arg10[%parallel_loop3A_364, %parallel_loop3A_365], %parallel_loop3A_363 {strides = array<i32>} : memref<32x128xf32, #tpu.memory_space<vmem>>, vector<16xf32>,
        %parallel_loop3A_367 = tpu.vector_load_idx %arg8[%add3A_275, %parallel_loop3A_346] : memref<128x128xf32, #tpu.memory_space<vmem>>[vector<16xi32>, vector<16xi32>], vector<16xf32>,
        %parallel_loop3A_368 = arith.index_cast %parallel_loop3A_345 : i32 to index
        %parallel_loop3A_369 = arith.constant 80 : index
        %parallel_loop3A_370 = tpu.vector_load %arg10[%parallel_loop3A_368, %parallel_loop3A_369] {strides = array<i32>} : memref<32x128xf32, #tpu.memory_space<vmem>>, vector<16xf32>,
        tpu.vector_store %arg10[%parallel_loop3A_368, %parallel_loop3A_369], %parallel_loop3A_367 {strides = array<i32>} : memref<32x128xf32, #tpu.memory_space<vmem>>, vector<16xf32>,
        %parallel_loop3A_371 = tpu.vector_load_idx %arg8[%add3A_278, %parallel_loop3A_346] : memref<128x128xf32, #tpu.memory_space<vmem>>[vector<16xi32>, vector<16xi32>], vector<16xf32>,
        %parallel_loop3A_372 = arith.index_cast %parallel_loop3A_345 : i32 to index
        %parallel_loop3A_373 = arith.constant 96 : index
        %parallel_loop3A_374 = tpu.vector_load %arg10[%parallel_loop3A_372, %parallel_loop3A_373] {strides = array<i32>} : memref<32x128xf32, #tpu.memory_space<vmem>>, vector<16xf32>,
        tpu.vector_store %arg10[%parallel_loop3A_372, %parallel_loop3A_373], %parallel_loop3A_371 {strides = array<i32>} : memref<32x128xf32, #tpu.memory_space<vmem>>, vector<16xf32>,
        %parallel_loop3A_375 = tpu.vector_load_idx %arg8[%add3A_281, %parallel_loop3A_346] : memref<128x128xf32, #tpu.memory_space<vmem>>[vector<16xi32>, vector<16xi32>], vector<16xf32>,
        %parallel_loop3A_376 = arith.index_cast %parallel_loop3A_345 : i32 to index
        %parallel_loop3A_377 = arith.constant 112 : index
        %parallel_loop3A_378 = tpu.vector_load %arg10[%parallel_loop3A_376, %parallel_loop3A_377] {strides = array<i32>} : memref<32x128xf32, #tpu.memory_space<vmem>>, vector<16xf32>,
        tpu.vector_store %arg10[%parallel_loop3A_376, %parallel_loop3A_377], %parallel_loop3A_375 {strides = array<i32>} : memref<32x128xf32, #tpu.memory_space<vmem>>, vector<16xf32>,
      } {sc.loop_unroll_factor = 4 : i64, sc.parallel_access}
      %dma_start3A_285 = arith.constant 0 : i32
      %dma_start3A_286 = arith.constant 0 : i32
      %dma_start3A_287 = arith.constant 0 : i32
      %dma_start3A_288 = tpu.memref_slice %arg10[%dma_start3A_286, %dma_start3A_287] : memref<32x128xf32, #tpu.memory_space<vmem>> -> memref<8x128xf32, #tpu.memory_space<vmem>>
      %dma_start3A_289 = arith.constant 0 : i32
      %dma_start3A_290 = arith.constant 0 : i32
      %dma_start3A_291 = tpu.memref_slice %arg4[%add3A_241, %dma_start3A_285, %add3A, %dma_start3A_289, %dma_start3A_290] : memref<50x4x32x8x128xf32, #tpu.memory_space<hbm>> -> memref<1x1x1x8x128xf32, #tpu.memory_space<hbm>>
      %dma_start3A_292 = tpu.memref_squeeze %dma_start3A_291 : memref<1x1x1x8x128xf32, #tpu.memory_space<hbm>> -> memref<8x128xf32, #tpu.memory_space<hbm>>
      %dma_start3A_293 = arith.constant 0 : i32
      %dma_start3A_294 = arith.constant 0 : i32
      %dma_start3A_295 = tpu.memref_slice %arg4[%add3A_241, %dma_start3A_285, %add3A, %dma_start3A_293, %dma_start3A_294] : memref<50x4x32x8x128xf32, #tpu.memory_space<hbm>> -> memref<1x1x1x8x128xf32, #tpu.memory_space<hbm>>
      %dma_start3A_296 = tpu.memref_squeeze %dma_start3A_295 : memref<1x1x1x8x128xf32, #tpu.memory_space<hbm>> -> memref<8x128xf32, #tpu.memory_space<hbm>>
      %dma_start3A_297 = arith.constant 0 : i32
      %dma_start3A_298 = arith.constant 0 : i32
      %dma_start3A_299 = tpu.memref_slice %arg10[%dma_start3A_297, %dma_start3A_298] : memref<32x128xf32, #tpu.memory_space<vmem>> -> memref<8x128xf32, #tpu.memory_space<vmem>>
      tpu.enqueue_dma source(%dma_start3A_299 : memref<8x128xf32, #tpu.memory_space<vmem>>) target(%dma_start3A_296 : memref<8x128xf32, #tpu.memory_space<hbm>>) target_semaphore(%arg14 : memref<!tpu.dma_semaphore, #tpu.memory_space<semaphore_mem>>)
      %dma_start3A_300 = arith.constant 1 : i32
      %dma_start3A_301 = arith.constant 8 : i32
      %dma_start3A_302 = arith.constant 0 : i32
      %dma_start3A_303 = tpu.memref_slice %arg10[%dma_start3A_301, %dma_start3A_302] : memref<32x128xf32, #tpu.memory_space<vmem>> -> memref<8x128xf32, #tpu.memory_space<vmem>>
      %dma_start3A_304 = arith.constant 0 : i32
      %dma_start3A_305 = arith.constant 0 : i32
      %dma_start3A_306 = tpu.memref_slice %arg4[%add3A_241, %dma_start3A_300, %add3A, %dma_start3A_304, %dma_start3A_305] : memref<50x4x32x8x128xf32, #tpu.memory_space<hbm>> -> memref<1x1x1x8x128xf32, #tpu.memory_space<hbm>>
      %dma_start3A_307 = tpu.memref_squeeze %dma_start3A_306 : memref<1x1x1x8x128xf32, #tpu.memory_space<hbm>> -> memref<8x128xf32, #tpu.memory_space<hbm>>
      %dma_start3A_308 = arith.constant 0 : i32
      %dma_start3A_309 = arith.constant 0 : i32
      %dma_start3A_310 = tpu.memref_slice %arg4[%add3A_241, %dma_start3A_300, %add3A, %dma_start3A_308, %dma_start3A_309] : memref<50x4x32x8x128xf32, #tpu.memory_space<hbm>> -> memref<1x1x1x8x128xf32, #tpu.memory_space<hbm>>
      %dma_start3A_311 = tpu.memref_squeeze %dma_start3A_310 : memref<1x1x1x8x128xf32, #tpu.memory_space<hbm>> -> memref<8x128xf32, #tpu.memory_space<hbm>>
      %dma_start3A_312 = arith.constant 8 : i32
      %dma_start3A_313 = arith.constant 0 : i32
      %dma_start3A_314 = tpu.memref_slice %arg10[%dma_start3A_312, %dma_start3A_313] : memref<32x128xf32, #tpu.memory_space<vmem>> -> memref<8x128xf32, #tpu.memory_space<vmem>>
      tpu.enqueue_dma source(%dma_start3A_314 : memref<8x128xf32, #tpu.memory_space<vmem>>) target(%dma_start3A_311 : memref<8x128xf32, #tpu.memory_space<hbm>>) target_semaphore(%arg14 : memref<!tpu.dma_semaphore, #tpu.memory_space<semaphore_mem>>)
      %dma_start3A_315 = arith.constant 2 : i32
      %dma_start3A_316 = arith.constant 16 : i32
      %dma_start3A_317 = arith.constant 0 : i32
      %dma_start3A_318 = tpu.memref_slice %arg10[%dma_start3A_316, %dma_start3A_317] : memref<32x128xf32, #tpu.memory_space<vmem>> -> memref<8x128xf32, #tpu.memory_space<vmem>>
      %dma_start3A_319 = arith.constant 0 : i32
      %dma_start3A_320 = arith.constant 0 : i32
      %dma_start3A_321 = tpu.memref_slice %arg4[%add3A_241, %dma_start3A_315, %add3A, %dma_start3A_319, %dma_start3A_320] : memref<50x4x32x8x128xf32, #tpu.memory_space<hbm>> -> memref<1x1x1x8x128xf32, #tpu.memory_space<hbm>>
      %dma_start3A_322 = tpu.memref_squeeze %dma_start3A_321 : memref<1x1x1x8x128xf32, #tpu.memory_space<hbm>> -> memref<8x128xf32, #tpu.memory_space<hbm>>
      %dma_start3A_323 = arith.constant 0 : i32
      %dma_start3A_324 = arith.constant 0 : i32
      %dma_start3A_325 = tpu.memref_slice %arg4[%add3A_241, %dma_start3A_315, %add3A, %dma_start3A_323, %dma_start3A_324] : memref<50x4x32x8x128xf32, #tpu.memory_space<hbm>> -> memref<1x1x1x8x128xf32, #tpu.memory_space<hbm>>
      %dma_start3A_326 = tpu.memref_squeeze %dma_start3A_325 : memref<1x1x1x8x128xf32, #tpu.memory_space<hbm>> -> memref<8x128xf32, #tpu.memory_space<hbm>>
      %dma_start3A_327 = arith.constant 16 : i32
      %dma_start3A_328 = arith.constant 0 : i32
      %dma_start3A_329 = tpu.memref_slice %arg10[%dma_start3A_327, %dma_start3A_328] : memref<32x128xf32, #tpu.memory_space<vmem>> -> memref<8x128xf32, #tpu.memory_space<vmem>>
      tpu.enqueue_dma source(%dma_start3A_329 : memref<8x128xf32, #tpu.memory_space<vmem>>) target(%dma_start3A_326 : memref<8x128xf32, #tpu.memory_space<hbm>>) target_semaphore(%arg14 : memref<!tpu.dma_semaphore, #tpu.memory_space<semaphore_mem>>)
      %dma_start3A_330 = arith.constant 3 : i32
      %dma_start3A_331 = arith.constant 24 : i32
      %dma_start3A_332 = arith.constant 0 : i32
      %dma_start3A_333 = tpu.memref_slice %arg10[%dma_start3A_331, %dma_start3A_332] : memref<32x128xf32, #tpu.memory_space<vmem>> -> memref<8x128xf32, #tpu.memory_space<vmem>>
      %dma_start3A_334 = arith.constant 0 : i32
      %dma_start3A_335 = arith.constant 0 : i32
      %dma_start3A_336 = tpu.memref_slice %arg4[%add3A_241, %dma_start3A_330, %add3A, %dma_start3A_334, %dma_start3A_335] : memref<50x4x32x8x128xf32, #tpu.memory_space<hbm>> -> memref<1x1x1x8x128xf32, #tpu.memory_space<hbm>>
      %dma_start3A_337 = tpu.memref_squeeze %dma_start3A_336 : memref<1x1x1x8x128xf32, #tpu.memory_space<hbm>> -> memref<8x128xf32, #tpu.memory_space<hbm>>
      %dma_start3A_338 = arith.constant 0 : i32
      %dma_start3A_339 = arith.constant 0 : i32
      %dma_start3A_340 = tpu.memref_slice %arg4[%add3A_241, %dma_start3A_330, %add3A, %dma_start3A_338, %dma_start3A_339] : memref<50x4x32x8x128xf32, #tpu.memory_space<hbm>> -> memref<1x1x1x8x128xf32, #tpu.memory_space<hbm>>
      %dma_start3A_341 = tpu.memref_squeeze %dma_start3A_340 : memref<1x1x1x8x128xf32, #tpu.memory_space<hbm>> -> memref<8x128xf32, #tpu.memory_space<hbm>>
      %dma_start3A_342 = arith.constant 24 : i32
      %dma_start3A_343 = arith.constant 0 : i32
      %dma_start3A_344 = tpu.memref_slice %arg10[%dma_start3A_342, %dma_start3A_343] : memref<32x128xf32, #tpu.memory_space<vmem>> -> memref<8x128xf32, #tpu.memory_space<vmem>>
      tpu.enqueue_dma source(%dma_start3A_344 : memref<8x128xf32, #tpu.memory_space<vmem>>) target(%dma_start3A_341 : memref<8x128xf32, #tpu.memory_space<hbm>>) target_semaphore(%arg14 : memref<!tpu.dma_semaphore, #tpu.memory_space<semaphore_mem>>)
    }
    %scan3A_8 = arith.constant 25 : i32
    %dma_wait3A = arith.constant 48 : i32
    %dma_wait3A_9 = arith.constant 0 : i32
    %dma_wait3A_10 = arith.constant 0 : i32
    %dma_wait3A_11 = arith.constant 0 : i32
    %dma_wait3A_12 = tpu.memref_slice %arg9[%dma_wait3A_10, %dma_wait3A_11] : memref<32x128xf32, #tpu.memory_space<vmem>> -> memref<8x128xf32, #tpu.memory_space<vmem>>
    %dma_wait3A_13 = arith.constant 0 : i32
    %dma_wait3A_14 = arith.constant 0 : i32
    %dma_wait3A_15 = tpu.memref_slice %arg4[%dma_wait3A, %dma_wait3A_9, %add3A, %dma_wait3A_13, %dma_wait3A_14] : memref<50x4x32x8x128xf32, #tpu.memory_space<hbm>> -> memref<1x1x1x8x128xf32, #tpu.memory_space<hbm>>
    %dma_wait3A_16 = tpu.memref_squeeze %dma_wait3A_15 : memref<1x1x1x8x128xf32, #tpu.memory_space<hbm>> -> memref<8x128xf32, #tpu.memory_space<hbm>>
    %dma_wait3A_17 = arith.constant 0 : i32
    %dma_wait3A_18 = arith.constant 0 : i32
    %dma_wait3A_19 = tpu.memref_slice %arg4[%dma_wait3A, %dma_wait3A_9, %add3A, %dma_wait3A_17, %dma_wait3A_18] : memref<50x4x32x8x128xf32, #tpu.memory_space<hbm>> -> memref<1x1x1x8x128xf32, #tpu.memory_space<hbm>>
    %dma_wait3A_20 = tpu.memref_squeeze %dma_wait3A_19 : memref<1x1x1x8x128xf32, #tpu.memory_space<hbm>> -> memref<8x128xf32, #tpu.memory_space<hbm>>
    %dma_wait3A_21 = arith.constant 0 : i32
    %dma_wait3A_22 = arith.constant 0 : i32
    %dma_wait3A_23 = tpu.memref_slice %arg9[%dma_wait3A_21, %dma_wait3A_22] : memref<32x128xf32, #tpu.memory_space<vmem>> -> memref<8x128xf32, #tpu.memory_space<vmem>>
    tpu.wait_dma2 semaphore(%arg13 : memref<!tpu.dma_semaphore, #tpu.memory_space<semaphore_mem>>) src(%dma_wait3A_23 : memref<8x128xf32, #tpu.memory_space<vmem>>) dst(%dma_wait3A_20 : memref<8x128xf32, #tpu.memory_space<hbm>>)
    %dma_wait3A_24 = arith.constant 48 : i32
    %dma_wait3A_25 = arith.constant 1 : i32
    %dma_wait3A_26 = arith.constant 8 : i32
    %dma_wait3A_27 = arith.constant 0 : i32
    %dma_wait3A_28 = tpu.memref_slice %arg9[%dma_wait3A_26, %dma_wait3A_27] : memref<32x128xf32, #tpu.memory_space<vmem>> -> memref<8x128xf32, #tpu.memory_space<vmem>>
    %dma_wait3A_29 = arith.constant 0 : i32
    %dma_wait3A_30 = arith.constant 0 : i32
    %dma_wait3A_31 = tpu.memref_slice %arg4[%dma_wait3A_24, %dma_wait3A_25, %add3A, %dma_wait3A_29, %dma_wait3A_30] : memref<50x4x32x8x128xf32, #tpu.memory_space<hbm>> -> memref<1x1x1x8x128xf32, #tpu.memory_space<hbm>>
    %dma_wait3A_32 = tpu.memref_squeeze %dma_wait3A_31 : memref<1x1x1x8x128xf32, #tpu.memory_space<hbm>> -> memref<8x128xf32, #tpu.memory_space<hbm>>
    %dma_wait3A_33 = arith.constant 0 : i32
    %dma_wait3A_34 = arith.constant 0 : i32
    %dma_wait3A_35 = tpu.memref_slice %arg4[%dma_wait3A_24, %dma_wait3A_25, %add3A, %dma_wait3A_33, %dma_wait3A_34] : memref<50x4x32x8x128xf32, #tpu.memory_space<hbm>> -> memref<1x1x1x8x128xf32, #tpu.memory_space<hbm>>
    %dma_wait3A_36 = tpu.memref_squeeze %dma_wait3A_35 : memref<1x1x1x8x128xf32, #tpu.memory_space<hbm>> -> memref<8x128xf32, #tpu.memory_space<hbm>>
    %dma_wait3A_37 = arith.constant 8 : i32
    %dma_wait3A_38 = arith.constant 0 : i32
    %dma_wait3A_39 = tpu.memref_slice %arg9[%dma_wait3A_37, %dma_wait3A_38] : memref<32x128xf32, #tpu.memory_space<vmem>> -> memref<8x128xf32, #tpu.memory_space<vmem>>
    tpu.wait_dma2 semaphore(%arg13 : memref<!tpu.dma_semaphore, #tpu.memory_space<semaphore_mem>>) src(%dma_wait3A_39 : memref<8x128xf32, #tpu.memory_space<vmem>>) dst(%dma_wait3A_36 : memref<8x128xf32, #tpu.memory_space<hbm>>)
    %dma_wait3A_40 = arith.constant 48 : i32
    %dma_wait3A_41 = arith.constant 2 : i32
    %dma_wait3A_42 = arith.constant 16 : i32
    %dma_wait3A_43 = arith.constant 0 : i32
    %dma_wait3A_44 = tpu.memref_slice %arg9[%dma_wait3A_42, %dma_wait3A_43] : memref<32x128xf32, #tpu.memory_space<vmem>> -> memref<8x128xf32, #tpu.memory_space<vmem>>
    %dma_wait3A_45 = arith.constant 0 : i32
    %dma_wait3A_46 = arith.constant 0 : i32
    %dma_wait3A_47 = tpu.memref_slice %arg4[%dma_wait3A_40, %dma_wait3A_41, %add3A, %dma_wait3A_45, %dma_wait3A_46] : memref<50x4x32x8x128xf32, #tpu.memory_space<hbm>> -> memref<1x1x1x8x128xf32, #tpu.memory_space<hbm>>
    %dma_wait3A_48 = tpu.memref_squeeze %dma_wait3A_47 : memref<1x1x1x8x128xf32, #tpu.memory_space<hbm>> -> memref<8x128xf32, #tpu.memory_space<hbm>>
    %dma_wait3A_49 = arith.constant 0 : i32
    %dma_wait3A_50 = arith.constant 0 : i32
    %dma_wait3A_51 = tpu.memref_slice %arg4[%dma_wait3A_40, %dma_wait3A_41, %add3A, %dma_wait3A_49, %dma_wait3A_50] : memref<50x4x32x8x128xf32, #tpu.memory_space<hbm>> -> memref<1x1x1x8x128xf32, #tpu.memory_space<hbm>>
    %dma_wait3A_52 = tpu.memref_squeeze %dma_wait3A_51 : memref<1x1x1x8x128xf32, #tpu.memory_space<hbm>> -> memref<8x128xf32, #tpu.memory_space<hbm>>
    %dma_wait3A_53 = arith.constant 16 : i32
    %dma_wait3A_54 = arith.constant 0 : i32
    %dma_wait3A_55 = tpu.memref_slice %arg9[%dma_wait3A_53, %dma_wait3A_54] : memref<32x128xf32, #tpu.memory_space<vmem>> -> memref<8x128xf32, #tpu.memory_space<vmem>>
    tpu.wait_dma2 semaphore(%arg13 : memref<!tpu.dma_semaphore, #tpu.memory_space<semaphore_mem>>) src(%dma_wait3A_55 : memref<8x128xf32, #tpu.memory_space<vmem>>) dst(%dma_wait3A_52 : memref<8x128xf32, #tpu.memory_space<hbm>>)
    %dma_wait3A_56 = arith.constant 48 : i32
    %dma_wait3A_57 = arith.constant 3 : i32
    %dma_wait3A_58 = arith.constant 24 : i32
    %dma_wait3A_59 = arith.constant 0 : i32
    %dma_wait3A_60 = tpu.memref_slice %arg9[%dma_wait3A_58, %dma_wait3A_59] : memref<32x128xf32, #tpu.memory_space<vmem>> -> memref<8x128xf32, #tpu.memory_space<vmem>>
    %dma_wait3A_61 = arith.constant 0 : i32
    %dma_wait3A_62 = arith.constant 0 : i32
    %dma_wait3A_63 = tpu.memref_slice %arg4[%dma_wait3A_56, %dma_wait3A_57, %add3A, %dma_wait3A_61, %dma_wait3A_62] : memref<50x4x32x8x128xf32, #tpu.memory_space<hbm>> -> memref<1x1x1x8x128xf32, #tpu.memory_space<hbm>>
    %dma_wait3A_64 = tpu.memref_squeeze %dma_wait3A_63 : memref<1x1x1x8x128xf32, #tpu.memory_space<hbm>> -> memref<8x128xf32, #tpu.memory_space<hbm>>
    %dma_wait3A_65 = arith.constant 0 : i32
    %dma_wait3A_66 = arith.constant 0 : i32
    %dma_wait3A_67 = tpu.memref_slice %arg4[%dma_wait3A_56, %dma_wait3A_57, %add3A, %dma_wait3A_65, %dma_wait3A_66] : memref<50x4x32x8x128xf32, #tpu.memory_space<hbm>> -> memref<1x1x1x8x128xf32, #tpu.memory_space<hbm>>
    %dma_wait3A_68 = tpu.memref_squeeze %dma_wait3A_67 : memref<1x1x1x8x128xf32, #tpu.memory_space<hbm>> -> memref<8x128xf32, #tpu.memory_space<hbm>>
    %dma_wait3A_69 = arith.constant 24 : i32
    %dma_wait3A_70 = arith.constant 0 : i32
    %dma_wait3A_71 = tpu.memref_slice %arg9[%dma_wait3A_69, %dma_wait3A_70] : memref<32x128xf32, #tpu.memory_space<vmem>> -> memref<8x128xf32, #tpu.memory_space<vmem>>
    tpu.wait_dma2 semaphore(%arg13 : memref<!tpu.dma_semaphore, #tpu.memory_space<semaphore_mem>>) src(%dma_wait3A_71 : memref<8x128xf32, #tpu.memory_space<vmem>>) dst(%dma_wait3A_68 : memref<8x128xf32, #tpu.memory_space<hbm>>)
    %dma_wait3A_72 = arith.constant 49 : i32
    %dma_wait3A_73 = arith.constant 0 : i32
    %dma_wait3A_74 = arith.constant 0 : i32
    %dma_wait3A_75 = arith.constant 0 : i32
    %dma_wait3A_76 = tpu.memref_slice %arg10[%dma_wait3A_74, %dma_wait3A_75] : memref<32x128xf32, #tpu.memory_space<vmem>> -> memref<8x128xf32, #tpu.memory_space<vmem>>
    %dma_wait3A_77 = arith.constant 0 : i32
    %dma_wait3A_78 = arith.constant 0 : i32
    %dma_wait3A_79 = tpu.memref_slice %arg4[%dma_wait3A_72, %dma_wait3A_73, %add3A, %dma_wait3A_77, %dma_wait3A_78] : memref<50x4x32x8x128xf32, #tpu.memory_space<hbm>> -> memref<1x1x1x8x128xf32, #tpu.memory_space<hbm>>
    %dma_wait3A_80 = tpu.memref_squeeze %dma_wait3A_79 : memref<1x1x1x8x128xf32, #tpu.memory_space<hbm>> -> memref<8x128xf32, #tpu.memory_space<hbm>>
    %dma_wait3A_81 = arith.constant 0 : i32
    %dma_wait3A_82 = arith.constant 0 : i32
    %dma_wait3A_83 = tpu.memref_slice %arg4[%dma_wait3A_72, %dma_wait3A_73, %add3A, %dma_wait3A_81, %dma_wait3A_82] : memref<50x4x32x8x128xf32, #tpu.memory_space<hbm>> -> memref<1x1x1x8x128xf32, #tpu.memory_space<hbm>>
    %dma_wait3A_84 = tpu.memref_squeeze %dma_wait3A_83 : memref<1x1x1x8x128xf32, #tpu.memory_space<hbm>> -> memref<8x128xf32, #tpu.memory_space<hbm>>
    %dma_wait3A_85 = arith.constant 0 : i32
    %dma_wait3A_86 = arith.constant 0 : i32
    %dma_wait3A_87 = tpu.memref_slice %arg10[%dma_wait3A_85, %dma_wait3A_86] : memref<32x128xf32, #tpu.memory_space<vmem>> -> memref<8x128xf32, #tpu.memory_space<vmem>>
    tpu.wait_dma2 semaphore(%arg14 : memref<!tpu.dma_semaphore, #tpu.memory_space<semaphore_mem>>) src(%dma_wait3A_87 : memref<8x128xf32, #tpu.memory_space<vmem>>) dst(%dma_wait3A_84 : memref<8x128xf32, #tpu.memory_space<hbm>>)
    %dma_wait3A_88 = arith.constant 49 : i32
    %dma_wait3A_89 = arith.constant 1 : i32
    %dma_wait3A_90 = arith.constant 8 : i32
    %dma_wait3A_91 = arith.constant 0 : i32
    %dma_wait3A_92 = tpu.memref_slice %arg10[%dma_wait3A_90, %dma_wait3A_91] : memref<32x128xf32, #tpu.memory_space<vmem>> -> memref<8x128xf32, #tpu.memory_space<vmem>>
    %dma_wait3A_93 = arith.constant 0 : i32
    %dma_wait3A_94 = arith.constant 0 : i32
    %dma_wait3A_95 = tpu.memref_slice %arg4[%dma_wait3A_88, %dma_wait3A_89, %add3A, %dma_wait3A_93, %dma_wait3A_94] : memref<50x4x32x8x128xf32, #tpu.memory_space<hbm>> -> memref<1x1x1x8x128xf32, #tpu.memory_space<hbm>>
    %dma_wait3A_96 = tpu.memref_squeeze %dma_wait3A_95 : memref<1x1x1x8x128xf32, #tpu.memory_space<hbm>> -> memref<8x128xf32, #tpu.memory_space<hbm>>
    %dma_wait3A_97 = arith.constant 0 : i32
    %dma_wait3A_98 = arith.constant 0 : i32
    %dma_wait3A_99 = tpu.memref_slice %arg4[%dma_wait3A_88, %dma_wait3A_89, %add3A, %dma_wait3A_97, %dma_wait3A_98] : memref<50x4x32x8x128xf32, #tpu.memory_space<hbm>> -> memref<1x1x1x8x128xf32, #tpu.memory_space<hbm>>
    %dma_wait3A_100 = tpu.memref_squeeze %dma_wait3A_99 : memref<1x1x1x8x128xf32, #tpu.memory_space<hbm>> -> memref<8x128xf32, #tpu.memory_space<hbm>>
    %dma_wait3A_101 = arith.constant 8 : i32
    %dma_wait3A_102 = arith.constant 0 : i32
    %dma_wait3A_103 = tpu.memref_slice %arg10[%dma_wait3A_101, %dma_wait3A_102] : memref<32x128xf32, #tpu.memory_space<vmem>> -> memref<8x128xf32, #tpu.memory_space<vmem>>
    tpu.wait_dma2 semaphore(%arg14 : memref<!tpu.dma_semaphore, #tpu.memory_space<semaphore_mem>>) src(%dma_wait3A_103 : memref<8x128xf32, #tpu.memory_space<vmem>>) dst(%dma_wait3A_100 : memref<8x128xf32, #tpu.memory_space<hbm>>)
    %dma_wait3A_104 = arith.constant 49 : i32
    %dma_wait3A_105 = arith.constant 2 : i32
    %dma_wait3A_106 = arith.constant 16 : i32
    %dma_wait3A_107 = arith.constant 0 : i32
    %dma_wait3A_108 = tpu.memref_slice %arg10[%dma_wait3A_106, %dma_wait3A_107] : memref<32x128xf32, #tpu.memory_space<vmem>> -> memref<8x128xf32, #tpu.memory_space<vmem>>
    %dma_wait3A_109 = arith.constant 0 : i32
    %dma_wait3A_110 = arith.constant 0 : i32
    %dma_wait3A_111 = tpu.memref_slice %arg4[%dma_wait3A_104, %dma_wait3A_105, %add3A, %dma_wait3A_109, %dma_wait3A_110] : memref<50x4x32x8x128xf32, #tpu.memory_space<hbm>> -> memref<1x1x1x8x128xf32, #tpu.memory_space<hbm>>
    %dma_wait3A_112 = tpu.memref_squeeze %dma_wait3A_111 : memref<1x1x1x8x128xf32, #tpu.memory_space<hbm>> -> memref<8x128xf32, #tpu.memory_space<hbm>>
    %dma_wait3A_113 = arith.constant 0 : i32
    %dma_wait3A_114 = arith.constant 0 : i32
    %dma_wait3A_115 = tpu.memref_slice %arg4[%dma_wait3A_104, %dma_wait3A_105, %add3A, %dma_wait3A_113, %dma_wait3A_114] : memref<50x4x32x8x128xf32, #tpu.memory_space<hbm>> -> memref<1x1x1x8x128xf32, #tpu.memory_space<hbm>>
    %dma_wait3A_116 = tpu.memref_squeeze %dma_wait3A_115 : memref<1x1x1x8x128xf32, #tpu.memory_space<hbm>> -> memref<8x128xf32, #tpu.memory_space<hbm>>
    %dma_wait3A_117 = arith.constant 16 : i32
    %dma_wait3A_118 = arith.constant 0 : i32
    %dma_wait3A_119 = tpu.memref_slice %arg10[%dma_wait3A_117, %dma_wait3A_118] : memref<32x128xf32, #tpu.memory_space<vmem>> -> memref<8x128xf32, #tpu.memory_space<vmem>>
    tpu.wait_dma2 semaphore(%arg14 : memref<!tpu.dma_semaphore, #tpu.memory_space<semaphore_mem>>) src(%dma_wait3A_119 : memref<8x128xf32, #tpu.memory_space<vmem>>) dst(%dma_wait3A_116 : memref<8x128xf32, #tpu.memory_space<hbm>>)
    %dma_wait3A_120 = arith.constant 49 : i32
    %dma_wait3A_121 = arith.constant 3 : i32
    %dma_wait3A_122 = arith.constant 24 : i32
    %dma_wait3A_123 = arith.constant 0 : i32
    %dma_wait3A_124 = tpu.memref_slice %arg10[%dma_wait3A_122, %dma_wait3A_123] : memref<32x128xf32, #tpu.memory_space<vmem>> -> memref<8x128xf32, #tpu.memory_space<vmem>>
    %dma_wait3A_125 = arith.constant 0 : i32
    %dma_wait3A_126 = arith.constant 0 : i32
    %dma_wait3A_127 = tpu.memref_slice %arg4[%dma_wait3A_120, %dma_wait3A_121, %add3A, %dma_wait3A_125, %dma_wait3A_126] : memref<50x4x32x8x128xf32, #tpu.memory_space<hbm>> -> memref<1x1x1x8x128xf32, #tpu.memory_space<hbm>>
    %dma_wait3A_128 = tpu.memref_squeeze %dma_wait3A_127 : memref<1x1x1x8x128xf32, #tpu.memory_space<hbm>> -> memref<8x128xf32, #tpu.memory_space<hbm>>
    %dma_wait3A_129 = arith.constant 0 : i32
    %dma_wait3A_130 = arith.constant 0 : i32
    %dma_wait3A_131 = tpu.memref_slice %arg4[%dma_wait3A_120, %dma_wait3A_121, %add3A, %dma_wait3A_129, %dma_wait3A_130] : memref<50x4x32x8x128xf32, #tpu.memory_space<hbm>> -> memref<1x1x1x8x128xf32, #tpu.memory_space<hbm>>
    %dma_wait3A_132 = tpu.memref_squeeze %dma_wait3A_131 : memref<1x1x1x8x128xf32, #tpu.memory_space<hbm>> -> memref<8x128xf32, #tpu.memory_space<hbm>>
    %dma_wait3A_133 = arith.constant 24 : i32
    %dma_wait3A_134 = arith.constant 0 : i32
    %dma_wait3A_135 = tpu.memref_slice %arg10[%dma_wait3A_133, %dma_wait3A_134] : memref<32x128xf32, #tpu.memory_space<vmem>> -> memref<8x128xf32, #tpu.memory_space<vmem>>
    tpu.wait_dma2 semaphore(%arg14 : memref<!tpu.dma_semaphore, #tpu.memory_space<semaphore_mem>>) src(%dma_wait3A_135 : memref<8x128xf32, #tpu.memory_space<vmem>>) dst(%dma_wait3A_132 : memref<8x128xf32, #tpu.memory_space<hbm>>)
    return
  }
}

</mosaic_0001>

<sc_bundles>
// kernel: kernel.3.cloned.1.call-start
scs
__scs_entry_jumppad:
0x0: {  	(pc) =	sbr.rel $0x88, $3  }
0x1: {  	(tag) =	ssettag $0x0;
	lr =	simm.s32 $0x1  }
0x2: {  	[smem:$0x3F9F] =	sst lr;
	_ =	strace $0xD0000000  }
0x3: {  	_ = 	snop  }
0x4: {  	_ = 	snop  }
0x5: {  	_ = 	snop  }
0x6: {  	_ = 	snop  }
0x7: {  	_ = 	snop  }
__scs_overlays_trampoline_lowered:
0x8: {  	[smem:$0x3FAE] =	sst s0  }
0x9: {  	[smem:$0x3FAF] =	sst s1  }
0xa: {  	[smem:$0x3FB0] =	sst s2  }
0xb: {  	[smem:$0x3FB1] =	sst s3  }
0xc: {  	[smem:$0x3FB2] =	sst s4  }
0xd: {  	[smem:$0x3FB3] =	sst s5  }
0xe: {  	[smem:$0x3FB4] =	sst s6  }
0xf: {  	[smem:$0x3FB5] =	sst s7  }
0x10: {  	[smem:$0x3FB6] =	sst s8  }
0x11: {  	[smem:$0x3FB7] =	sst s9;
	s0 =	simm.s32 @!p0 $0x0  }
0x12: {  	s1 =	sld [smem:$0x3F9D];
	s0 =	simm.s32 @p0 $0x1  }
0x13: {  	[smem:$0x3FB8] =	sst s0;
	s0 =	simm.s32 @!p1 $0x0  }
0x14: {  	s2 =	sld [smem:$0x3F9C];
	s0 =	simm.s32 @p1 $0x1  }
0x15: {  	[smem:$0x3FB9] =	sst s0;
	s0 =	simm.s32 @!p2 $0x0  }
0x16: {  	s3 =	sld [smem:$0x3FDB];
	s0 =	simm.s32 @p2 $0x1  }
0x17: {  	s4 =	simm.s32 $0x1BF5;
	[smem:$0x3FBB] =	sst s0  }
0x18: {  	s0 =	sld [smem:$0x3F9E];
	_ =	swait.ge [sflag:s4], $0x0  }
0x19: {  	s7 =	sld [smem:$0x3F9F]  }
0x1a: {  	s8 =	sadd.s32 $0xFFFFE003, lr  }
0x1b: {  	s9 =	sadd.s32 $0xFFFFFEF7, lr;
	s5 =	simm.s32 $0xFFFFFFFF;
	p2 =	slt.u32 s8, $0xFFFFF086  }
0x1c: {  	p1 =	slt.u32 s9, $0xF7A;
	s5 =	simm.s32 @!p2 $0x0  }
0x1d: {  	s5 =	simm.s32 @p1 $0x1;
	p0 =	seq.s32 s7, s2  }
0x1e: {  	s7 =	smul.u32 @!p0 $0xF7A, s2;
	p2 =	seq.s32 @!p0 s5, $0x0  }
0x1f: {  	s9 =	smul.u32 $0xF7A, s1;
	s8 =	simm.s32 @!p0 $0x1BF5;
	p2 =	por !p2, p0  }
0x20: {  	[sflag:s8] =	ssyncset.s32 @!p0 $0xFFFFF086;
	s6 =	sadd.s32 @!p0 s3, s7;
	s7 =	simm.s32 @!p0 $0x108  }
0x21: {  	s3 =	sadd.s32 s3, s9;
	s6 =	sadd.s32 @!p0 $0x88, s6;
	s7 =	simm.s32 @p2 $0x1082  }
0x22: {  	[simem:s7], [sflag:s8] =	dma.local @!p0 [hbm:s6], $0xF7A  }
0x23: {  	s9 =	sor.u32 $0xD0000000, s2;
	s6 =	simm.s32 $0x108;
	_ =	swait.ge @!p0 [sflag:s8], $0x0  }
0x24: {  	s3 =	sadd.s32 $0x88, s3;
	s6 =	simm.s32 @!p1 $0x1082;
	[sflag:s4] =	ssyncset.s32 $0xFFFFF086  }
0x25: {  	[simem:s6], [sflag:s4] =	dma.local [hbm:s3], $0xF7A  }
0x26: {  	[smem:$0x3F9F] =	sst s1;
	(tag) =	ssettag s2;
	_ =	strace s9  }
0x27: {  	s1 =	sld [smem:$0x3FAF]  }
0x28: {  	s2 =	sld [smem:$0x3FB0]  }
0x29: {  	s4 =	sld [smem:$0x3FB2]  }
0x2a: {  	p0 =	seq.s32 s5, $0x0;
	s5 =	sld [smem:$0x3FB3]  }
0x2b: {  	s6 =	sld [smem:$0x3FB4]  }
0x2c: {  	s7 =	sld [smem:$0x3FB5]  }
0x2d: {  	s3 =	simm.s32 $0x108;
	s8 =	sld [smem:$0x3FB6]  }
0x2e: {  	s3 =	simm.s32 @!p0 $0x1082;
	s9 =	sld [smem:$0x3FB7]  }
0x2f: {  	lr =	sadd.s32 s0, s3;
	s0 =	sld [smem:$0x3FAE]  }
0x30: {  	s3 =	sld [smem:$0x3FB1]  }
0x31: {  	[smem:$0x3FBA] =	sst s10  }
0x32: {  	s10 =	sld [smem:$0x3FB8];
	_ =	sdelay $0x3  }
0x33: {  	p0 =	seq.s32 s10, $0x1;
	s10 =	sld [smem:$0x3FBA];
	_ =	sdelay $0x3  }
0x34: {  	[smem:$0x3FBA] =	sst s10  }
0x35: {  	s10 =	sld [smem:$0x3FB9];
	_ =	sdelay $0x3  }
0x36: {  	p1 =	seq.s32 s10, $0x1;
	s10 =	sld [smem:$0x3FBA];
	_ =	sdelay $0x3  }
0x37: {  	[smem:$0x3FBA] =	sst s10  }
0x38: {  	s10 =	sld [smem:$0x3FBB]  }
0x39: {  	_ = 	snop;
	(pc) =	sbr.ind lr, $3  }
0x3a: {  	_ = 	snop  }
0x3b: {  	_ = 	snop  }
0x3c: {  	p2 =	seq.s32 s10, $0x1;
	s10 =	sld [smem:$0x3FBA]  }
0x3d: {  	_ =	shalt  }
0x3e: {  	_ =	shalt  }
0x3f: {  	_ =	shalt  }
0x40: {  	_ =	shalt  }
0x41: {  	_ =	shalt  }
0x42: {  	_ =	shalt  }
0x43: {  	_ =	shalt  }
0x44: {  	_ =	shalt  }
0x45: {  	_ =	shalt  }
0x46: {  	_ =	shalt  }
0x47: {  	_ =	shalt  }
0x48: {  	_ =	shalt  }
0x49: {  	_ =	shalt  }
0x4a: {  	_ =	shalt  }
0x4b: {  	_ =	shalt  }
0x4c: {  	_ =	shalt  }
0x4d: {  	_ =	shalt  }
0x4e: {  	_ =	shalt  }
0x4f: {  	_ =	shalt  }
0x50: {  	_ =	shalt  }
0x51: {  	_ =	shalt  }
0x52: {  	_ =	shalt  }
0x53: {  	_ =	shalt  }
0x54: {  	_ =	shalt  }
0x55: {  	_ =	shalt  }
0x56: {  	_ =	shalt  }
0x57: {  	_ =	shalt  }
0x58: {  	_ =	shalt  }
0x59: {  	_ =	shalt  }
0x5a: {  	_ =	shalt  }
0x5b: {  	_ =	shalt  }
0x5c: {  	_ =	shalt  }
0x5d: {  	_ =	shalt  }
0x5e: {  	_ =	shalt  }
0x5f: {  	_ =	shalt  }
0x60: {  	_ =	shalt  }
0x61: {  	_ =	shalt  }
0x62: {  	_ =	shalt  }
0x63: {  	_ =	shalt  }
0x64: {  	_ =	shalt  }
0x65: {  	_ =	shalt  }
0x66: {  	_ =	shalt  }
0x67: {  	_ =	shalt  }
0x68: {  	_ =	shalt  }
0x69: {  	_ =	shalt  }
0x6a: {  	_ =	shalt  }
0x6b: {  	_ =	shalt  }
0x6c: {  	_ =	shalt  }
0x6d: {  	_ =	shalt  }
0x6e: {  	_ =	shalt  }
0x6f: {  	_ =	shalt  }
0x70: {  	_ =	shalt  }
0x71: {  	_ =	shalt  }
0x72: {  	_ =	shalt  }
0x73: {  	_ =	shalt  }
0x74: {  	_ =	shalt  }
0x75: {  	_ =	shalt  }
0x76: {  	_ =	shalt  }
0x77: {  	_ =	shalt  }
0x78: {  	_ =	shalt  }
0x79: {  	_ =	shalt  }
0x7a: {  	_ =	shalt  }
0x7b: {  	_ =	shalt  }
0x7c: {  	_ =	shalt  }
0x7d: {  	_ =	shalt  }
0x7e: {  	_ =	shalt  }
0x7f: {  	_ =	shalt  }
0x80: {  	_ =	shalt  }
0x81: {  	_ =	shalt  }
0x82: {  	_ =	shalt  }
0x83: {  	_ =	shalt  }
0x84: {  	_ =	shalt  }
0x85: {  	_ =	shalt  }
0x86: {  	_ =	shalt  }
0x87: {  	_ =	shalt  }
.Lfunc_end0:
.L_simem_size_0:
called_computation_lowered:
.L_overlay_start_0:
0x88: {  	s2 =	sld [smem:$0x3FD9]  }
0x89: {  	s3 =	sld [smem:$0x3FFE];
	_ =	sdelay $0x1  }
0x8a: {  	s1 =	srdreg.scid  }
0x8b: {  	s0 =	sand.u32 $0x1, s1  }
0x8c: {  	s17 =	sshll.u32 s0, $0xA;
	s2 =	sadd.s32 s3, s2  }
0x8d: {  	s2 =	sadd.s32 s2, s17  }
0x8e: {  	[smem:$0x3FC6] =	sst s2  }
0x8f: {  	_ = 	snop  }
0x90: {  	s2 =	sld [smem:$0x3FD0];
	(tm) =	ssettm $0x1  }
0x91: {  	s18 =	sld [smem:$0x3FFB];
	_ =	sdelay $0x3  }
0x92: {  	_ =	strace s18  }
0x93: {  	s3 =	sld [smem:$0x3FFC];
	_ =	sdelay $0x3  }
0x94: {  	_ =	strace s3  }
0x95: {  	s3 =	sld [smem:$0x3FFD];
	_ =	sdelay $0x3  }
0x96: {  	_ =	strace s3  }
0x97: {  	_ =	strace $0x8FFFFFFF  }
0x98: {  	s19 =	sld [smem:$0x3FDB];
	_ =	sdelay $0x1  }
0x99: {  	s4 =	simm.s32 $_scs_section_size  }
0x9a: {  	s5 =	simm.s32 $_size__tile_overlayer_lowered;
	s6 =	simm.s32 $_tile_overlayer_lowered  }
0x9b: {  	s22 =	simm.s32 $0x1BFF;
	s21 =	sshll.u32 s6, $0x1;
	s3 =	sadd.s32 s4, s19  }
0x9c: {  	s7 =	simm.s32 $0x0;
	s20 =	sshll.u32 s5, $0x1;
	s5 =	sadd.s32 s21, s3  }
0x9d: {  	[timem:s7], [sflag:s22] =	dma.local [hbm:s5], s20  }
0x9e: {  	_ =	swait.ge [sflag:s22], s20  }
0x9f: {  	s4 =	ssub.s32 $0x0, s20;
	[sflag:s22] =	ssyncset.done $0x0  }
0xa0: {  	[sflag:s22] =	ssyncadd.s32 s4;
	_ =	sdelay $0x1  }
0xa1: {  	s23 =	simm.s32 $0x1B8B  }
0xa2: {  	_ =	swait.ge [sflag:s23], $0x1  }
0xa3: {  	[sflag:s23] =	ssyncset.done $0x0  }
0xa4: {  	s25 =	simm.s32 $0x1B8E;
	s24 =	sld [smem:$0x3FFE];
	[sflag:s23] =	ssyncadd.s32 $0xFFFFFFFF  }
0xa5: {  	s26 =	simm.s32 $execute0_lowered;
	[smem:$0x3FD2] =	sst s25  }
0xa6: {  	s5 =	sshll.u32 s26, $0x1;
	_ =	strace $0x80000046;
	[dreg:$0x1] =	wrdreg $0xFFFFFFFF  }
0xa7: {  	s28 =	simm.s32 $_size_execute0_lowered;
	s3 =	sadd.s32 s3, s5;
	[dreg:$0x0] =	wrdreg $0x0  }
0xa8: {  	s5 =	sshll.u32 s28, $0x1;
	[dreg:$0x2] =	wrdreg s3  }
0xa9: {  	[dreg:$0x3] =	wrdreg s5  }
0xaa: {  	[dreg:$0x4] =	wrdreg $0xC0  }
0xab: {  	_ =	task [dreg:s7], $0x5FFFF  }
0xac: {  	[dreg:$0x1] =	wrdreg $0xFFFFFFFF  }
0xad: {  	[dreg:$0x0] =	wrdreg $0x60  }
0xae: {  	[dreg:$0x2] =	wrdreg s24  }
0xaf: {  	[dreg:$0x3] =	wrdreg s2  }
0xb0: {  	[dreg:$0x4] =	wrdreg $0x9  }
0xb1: {  	_ =	task.clear_ibuf [dreg:s7], $0x5FFFF;
	_ =	strace $0x90000046  }
0xb2: {  	s29 =	simm.s32 $0x9;
	_ =	strace $0x80000048  }
0xb3: {  	_ =	swait.ge [sflag:s29], $0x1  }
0xb4: {  	[sflag:s29] =	ssyncadd.s32 $0xFFFFFFFF  }
0xb5: {  	_ =	strace $0x90000048  }
0xb6: {  	_ =	sfence  }
0xb7: {  	s30 =	sld [smem:$0x0];
	_ =	sdelay $0x2  }
0xb8: {  	s31 =	sshll.u32 s1, $0xD;
	s1 =	sshrl.u32 s1, $0x2  }
0xb9: {  	s3 =	sand.u32 $0x4000, s31;
	s1 =	sadd.s32 s1, s30  }
0xba: {  	s0 =	sor.u32 s3, s0;
	s1 =	sshll.u32 s1, $0x11  }
0xbb: {  	s0 =	sor.u32 s1, s0  }
0xbc: {  	s0 =	sadd.s32 $0x8F2B, s0  }
0xbd: {  	[sflag:s0] =	ssyncadd.remote.s32 $0x1  }
0xbe: {  	_ =	sfence.sel $0xFFFF  }
0xbf: {  	[dreg:$0x0] =	wrdreg $0xFFFFFFFF;
	(pc) =	sbr.abs _section_cstart, $3  }
0xc0: {  	[dreg:$0x1] =	wrdreg $0xFFFFFFFF  }
0xc1: {  	_ =	task.clear_ibuf [dreg:s7], $0x2FFFF;
	_ =	strace $0x9FFFFFFF  }
0xc2: {  	(tm) =	ssettm $0x7FFFFFFF  }
0xc3: {  	_ =	shalt  }
tec
execute0_lowered:
.L_overlay_start_1:
0x0: {  	(tag) =	ssettag $0x1  }
0x1: {  	s0 =	rddreg [dreg:$0x0]  }
0x2: {  	s2 =	rddreg [dreg:$0x1];
	s1 =	srdreg.scid;
	s3 =	simm.s32 $0x0  }
0x3: {  	s4 =	stileid.u32;
	s12 =	simm.s32 $0x5;
	s13 =	simm.s32 $0x80  }
0x4: {  	s14 =	simm.s32 $0x100;
	s15 =	simm.s32 $0x4100;
	s16 =	simm.s32 $0x1  }
0x5: {  	s17 =	simm.s32 $0x8100;
	s18 =	simm.s32 $0x8500;
	s19 =	simm.s32 $0x8900  }
0x6: {  	s20 =	simm.s32 $0x8D00;
	s21 =	simm.s32 $0x2;
	s22 =	simm.s32 $0x4  }
0x7: {  	s23 =	simm.s32 $0x9100;
	s24 =	simm.s32 $0x9500;
	s25 =	simm.s32 $0x9900  }
0x8: {  	s26 =	simm.s32 $0x9D00;
	s1 =	sand.u32 $0x1, s1;
	[smem:$0x7FF] =	sst s3  }
0x9: {  	v0 =	vlaneseq.u32;
	s4 =	sshll.u32 s4, $0xB;
	s6 =	sadd.s32 $0xF42A00, s0;
	s5 =	sshll.u32 s1, $0xA  }
0xa: {  	s9 =	sadd.s32 $0x2000, s2;
	v0 =	vmul.u32 $0x80, v0;
	s1 =	ssub.s32 $0x2, s1;
	s4 =	sor.u32 s5, s4  }
0xb: {  	s5 =	sadd.s32 $0x600, s0;
	s7 =	sshrl.u32 s1, $0x1;
	s8 =	sshrl.u32 s4, $0x3  }
0xc: {  	s10 =	sadd.s32 $0x3000, s2;
	v1 =	vor.u32 $0x800, v0;
	s30 =	ssub.s32 s1, s7;
	s31 =	sadd.s32 s5, s8  }
0xd: {  	_ =	strace $0x80000047;
	v2 =	vor.u32 $0x1000, v0;
	v3 =	vor.u32 $0x1800, v0;
	v4 =	vor.u32 $0x2000, v0;
	s0 =	smax.u32 s30, $0x1;
	[dreg:$0x3] =	wrdreg s31  }
0xe: {  	v5 =	vor.u32 $0x2800, v0;
	v6 =	vor.u32 $0x3000, v0;
	v7 =	vor.u32 $0x3800, v0;
	s1 =	simm.s32 $0x0;
	s8 =	sadd.s32 $0x1000, s2;
	[dreg:$0x4] =	wrdreg s0  }
.LBB2_1:
0xf: {  	[dreg:$0x5] =	wrdreg s1  }
0x10: {  	s0 =	rddreg [dreg:$0x3]  }
0x11: {  	[tilespmem:s3], [sflag:$0x5] =	stream.linear.gather [hbm4b:s0+s3], $0x80, $0x38;
	[tilespmem:$0xA100] =	vst v63  }
0x12: {  	_ =	swait.ge [sflag:s12], $0x80  }
0x13: {  	[sflag:s12] =	ssyncset.done $0x0  }
0x14: {  	s30 =	simm.s32 $0x0;
	[sflag:s12] =	ssyncadd.s32 $0xFFFFFF80  }
0x15: {  	[tilespmem:s14], [sflag:$0x1] =	stream.indirect.gather [hbm4b:s6+s13], $0x80, s3, s13, $0xb8;
	[tilespmem:$0xA100] =	vst v63  }
.LBB2_2:
0x16: {  	s31 =	sshllo.u32 s30, $0x1  }
0x17: {  	s1 =	sshll.u32 s30, $0xD;
	s0 =	sshll.u32 s31, $0x7  }
0x18: {  	s1 =	sand.u32 $0x38000, s1;
	s0 =	sand.u32 $0x380, s0  }
0x19: {  	s0 =	sor.u32 s0, s1  }
0x1a: {  	s0 =	sor.u32 s4, s0  }
0x1b: {  	s0 =	sshrl.u32 s0, $0x3  }
0x1c: {  	s0 =	sadd.s32 s5, s0  }
0x1d: {  	[tilespmem:s13], [sflag:$0x5] =	stream.linear.gather [hbm4b:s0+s3], $0x80, $0x38;
	[tilespmem:$0xA100] =	vst v63  }
0x1e: {  	_ =	swait.ge [sflag:s12], $0x80  }
0x1f: {  	[sflag:s12] =	ssyncset.done $0x0  }
0x20: {  	[sflag:s12] =	ssyncadd.s32 $0xFFFFFF80  }
0x21: {  	[tilespmem:s15], [sflag:$0x2] =	stream.indirect.gather [hbm4b:s6+s13], $0x80, s13, s13, $0xb8;
	[tilespmem:$0xA100] =	vst v63  }
0x22: {  	_ =	swait.ge [sflag:s16], $0x4000  }
0x23: {  	p0 =	seq.s32 s30, $0x0;
	[sflag:s16] =	ssyncset.done $0x0  }
0x24: {  	s0 =	simm.s32 @!p0 $0x3;
	[sflag:s16] =	ssyncadd.s32 $0xFFFFC000  }
0x25: {  	_ =	swait.ge @!p0 [sflag:s0], $0x400  }
0x26: {  	[sflag:s0] =	ssyncset.done @!p0 $0x0  }
0x27: {  	s11 =	simm.s32 $0x3;
	[sflag:s0] =	ssyncadd.s32 @!p0 $0xFFFFFC00  }
0x28: {  	s7 =	simm.s32 $0x1;
	v8 =	vmov s11;
	_ =	swait.ge @!p0 [sflag:s0], $0x400  }
0x29: {  	v9 =	vmov s7;
	s7 =	simm.s32 $0x2;
	v8 =	vand.u32 $0x1F, v8;
	[sflag:s0] =	ssyncset.done @!p0 $0x0  }
0x2a: {  	s11 =	simm.s32 $0x0;
	v9 =	vand.u32 $0x1D, v9;
	v10 =	vmov s7;
	v14 =	vbroadcast v8, $0x0;
	[sflag:s0] =	ssyncadd.s32 @!p0 $0xFFFFFC00  }
0x2b: {  	v17 =	vbroadcast v9, $0x0;
	v8 =	vand.u32 $0x1E, v10;
	v9 =	vmov s11;
	_ =	swait.ge @!p0 [sflag:s0], $0x400  }
0x2c: {  	v16 =	vbroadcast v8, $0x0;
	v9 =	vand.u32 $0x1C, v9;
	v8 =	vor.u32 v0, v14;
	[sflag:s0] =	ssyncset.done @!p0 $0x0  }
0x2d: {  	v10 =	vor.u32 v0, v17;
	v12 =	vbroadcast v9, $0x0;
	[sflag:s0] =	ssyncadd.s32 @!p0 $0xFFFFFC00  }
0x2e: {  	v9 =	vor.u32 v0, v16;
	_ =	swait.ge @!p0 [sflag:s0], $0x400  }
0x2f: {  	v11 =	vor.u32 v0, v12;
	[sflag:s0] =	ssyncset.done @!p0 $0x0  }
0x30: {  	[sflag:s0] =	ssyncadd.s32 @!p0 $0xFFFFFC00  }
0x31: {  	v8 =	vld.idx.msk [tilespmem:v8+s14+$0x0], $0xffff  }
0x32: {  	v13 =	vor.u32 v1, v14;
	v10 =	vld.idx.msk [tilespmem:v10+s14+$0x0], $0xffff  }
0x33: {  	v15 =	vor.u32 v1, v17;
	v9 =	vld.idx.msk [tilespmem:v9+s14+$0x0], $0xffff  }
0x34: {  	v18 =	vor.u32 v1, v16;
	v11 =	vld.idx.msk [tilespmem:v11+s14+$0x0], $0xffff  }
0x35: {  	s1 =	simm.s32 $0x8200;
	v19 =	vor.u32 v1, v12  }
0x36: {  	[tilespmem:s1+$0x80] =	vst v8  }
0x37: {  	[tilespmem:s1+$0xFFFFFF80] =	vst v10;
	v8 =	vld.idx.msk [tilespmem:v13+s14+$0x0], $0xffff  }
0x38: {  	[tilespmem:s1+$0x0] =	vst v9;
	v9 =	vor.u32 v2, v14;
	v10 =	vld.idx.msk [tilespmem:v15+s14+$0x0], $0xffff  }
0x39: {  	[tilespmem:s1+$0xFFFFFF00] =	vst v11;
	v13 =	vld.idx.msk [tilespmem:v18+s14+$0x0], $0xffff;
	v15 =	vor.u32 v2, v17  }
0x3a: {  	v11 =	vor.u32 v2, v16;
	v18 =	vld.idx.msk [tilespmem:v19+s14+$0x0], $0xffff  }
0x3b: {  	v19 =	vor.u32 v2, v12  }
0x3c: {  	[tilespmem:s1+$0x90] =	vst v8  }
0x3d: {  	s7 =	simm.s32 $0x4;
	[tilespmem:s1+$0xFFFFFF90] =	vst v10;
	v10 =	vld.idx.msk [tilespmem:v9+s14+$0x0], $0xffff  }
0x3e: {  	s11 =	simm.s32 $0x5;
	v8 =	vmov s7;
	[tilespmem:s1+$0x10] =	vst v13;
	v13 =	vor.u32 v3, v14;
	v15 =	vld.idx.msk [tilespmem:v15+s14+$0x0], $0xffff  }
0x3f: {  	v20 =	vor.u32 v3, v17;
	[tilespmem:s1+$0xFFFFFF10] =	vst v18;
	v8 =	vand.u32 $0x1C, v8;
	v9 =	vmov s11;
	v11 =	vld.idx.msk [tilespmem:v11+s14+$0x0], $0xffff  }
0x40: {  	v18 =	vor.u32 v3, v16;
	v19 =	vld.idx.msk [tilespmem:v19+s14+$0x0], $0xffff;
	v8 =	vbroadcast v8, $0x0;
	v9 =	vand.u32 $0x1D, v9  }
0x41: {  	v22 =	vor.u32 v3, v12;
	v9 =	vbroadcast v9, $0x0  }
0x42: {  	s7 =	simm.s32 $0x7;
	v21 =	vor.u32 v0, v8;
	[tilespmem:s1+$0xA0] =	vst v10  }
0x43: {  	s11 =	simm.s32 $0x6;
	v23 =	vor.u32 v0, v9;
	[tilespmem:s1+$0xFFFFFFA0] =	vst v15;
	v10 =	vmov s7;
	v15 =	vld.idx.msk [tilespmem:v13+s14+$0x0], $0xffff  }
0x44: {  	v25 =	vmov s11;
	[tilespmem:s1+$0x20] =	vst v11;
	v11 =	vor.u32 v4, v14;
	v20 =	vld.idx.msk [tilespmem:v20+s14+$0x0], $0xffff;
	v10 =	vand.u32 $0x1F, v10  }
0x45: {  	v24 =	vor.u32 v4, v17;
	[tilespmem:s1+$0xFFFFFF20] =	vst v19;
	v18 =	vld.idx.msk [tilespmem:v18+s14+$0x0], $0xffff;
	v13 =	vbroadcast v10, $0x0;
	v10 =	vand.u32 $0x1E, v25  }
0x46: {  	v19 =	vor.u32 v4, v16;
	v22 =	vld.idx.msk [tilespmem:v22+s14+$0x0], $0xffff;
	v10 =	vbroadcast v10, $0x0  }
0x47: {  	v21 =	vld.idx.msk [tilespmem:v21+s14+$0x0], $0xffff;
	v25 =	vor.u32 v0, v13  }
0x48: {  	v23 =	vld.idx.msk [tilespmem:v23+s14+$0x0], $0xffff;
	v26 =	vor.u32 v0, v10;
	[tilespmem:s1+$0xB0] =	vst v15  }
0x49: {  	s11 =	simm.s32 $0x8;
	v15 =	vor.u32 v4, v12;
	[tilespmem:s1+$0xFFFFFFB0] =	vst v20;
	v20 =	vld.idx.msk [tilespmem:v11+s14+$0x0], $0xffff  }
0x4a: {  	[tilespmem:s1+$0x30] =	vst v18;
	v18 =	vor.u32 v5, v14;
	v11 =	vmov s11;
	v24 =	vld.idx.msk [tilespmem:v24+s14+$0x0], $0xffff  }
0x4b: {  	v27 =	vor.u32 v5, v17;
	v19 =	vld.idx.msk [tilespmem:v19+s14+$0x0], $0xffff;
	v11 =	vand.u32 $0x1C, v11  }
0x4c: {  	[tilespmem:s1+$0xFFFFFF30] =	vst v22;
	v11 =	vbroadcast v11, $0x0;
	v22 =	vld.idx.msk [tilespmem:v25+s14+$0x0], $0xffff;
	v25 =	vor.u32 v5, v16  }
0x4d: {  	v30 =	vor.u32 v1, v13;
	v26 =	vld.idx.msk [tilespmem:v26+s14+$0x0], $0xffff  }
0x4e: {  	v28 =	vor.u32 v0, v11;
	v29 =	vld.idx.msk [tilespmem:v15+s14+$0x0], $0xffff;
	[tilespmem:s1+$0xC0] =	vst v20  }
0x4f: {  	v20 =	vor.u32 v1, v9;
	[tilespmem:s1+$0xFFFFFFC0] =	vst v24;
	v18 =	vld.idx.msk [tilespmem:v18+s14+$0x0], $0xffff  }
0x50: {  	s0 =	simm.s32 $0x8400;
	v24 =	vor.u32 v1, v10;
	[tilespmem:s1+$0x40] =	vst v19;
	v27 =	vld.idx.msk [tilespmem:v27+s14+$0x0], $0xffff  }
0x51: {  	v19 =	vld.idx.msk [tilespmem:v25+s14+$0x0], $0xffff;
	v25 =	vor.u32 v6, v14;
	[tilespmem:s0+$0x80] =	vst v22  }
0x52: {  	[tilespmem:s0+$0xFFFFFF80] =	vst v23;
	v23 =	vor.u32 v5, v12;
	v22 =	vld.idx.msk [tilespmem:v30+s14+$0x0], $0xffff  }
0x53: {  	[tilespmem:s0+$0xFFFFFF00] =	vst v21;
	v15 =	vld.idx.msk [tilespmem:v28+s14+$0x0], $0xffff;
	v28 =	vor.u32 v1, v8  }
0x54: {  	[tilespmem:s0+$0x0] =	vst v26;
	v26 =	vor.u32 v6, v17;
	v20 =	vld.idx.msk [tilespmem:v20+s14+$0x0], $0xffff  }
0x55: {  	v30 =	vor.u32 v2, v13;
	v24 =	vld.idx.msk [tilespmem:v24+s14+$0x0], $0xffff;
	[tilespmem:s1+$0xD0] =	vst v18  }
0x56: {  	v21 =	vor.u32 v2, v9;
	[tilespmem:s1+$0xFFFFFF40] =	vst v29;
	v25 =	vld.idx.msk [tilespmem:v25+s14+$0x0], $0xffff  }
0x57: {  	v14 =	vor.u32 v7, v14;
	v23 =	vld.idx.msk [tilespmem:v23+s14+$0x0], $0xffff;
	[tilespmem:s1+$0xFFFFFFD0] =	vst v27  }
0x58: {  	v31 =	vor.u32 v2, v10;
	[tilespmem:s1+$0x50] =	vst v19;
	v28 =	vld.idx.msk [tilespmem:v28+s14+$0x0], $0xffff  }
0x59: {  	[tilespmem:s0+$0x90] =	vst v22;
	v18 =	vld.idx.msk [tilespmem:v26+s14+$0x0], $0xffff;
	v22 =	vor.u32 v6, v16  }
0x5a: {  	s7 =	simm.s32 $0x9;
	v27 =	vor.u32 v2, v8;
	[tilespmem:s0+$0xFFFFFF90] =	vst v20;
	v20 =	vld.idx.msk [tilespmem:v30+s14+$0x0], $0xffff  }
0x5b: {  	v26 =	vor.u32 v6, v12;
	v30 =	vld.idx.msk [tilespmem:v21+s14+$0x0], $0xffff;
	v21 =	vmov s7;
	[tilespmem:s1+$0xE0] =	vst v25  }
0x5c: {  	v32 =	vor.u32 v3, v13;
	[tilespmem:s0+$0x10] =	vst v24;
	v25 =	vld.idx.msk [tilespmem:v14+s14+$0x0], $0xffff;
	v14 =	vand.u32 $0x1D, v21  }
0x5d: {  	v31 =	vld.idx.msk [tilespmem:v31+s14+$0x0], $0xffff;
	[tilespmem:s0+$0xFFFFFF10] =	vst v28;
	v28 =	vor.u32 v3, v9;
	v14 =	vbroadcast v14, $0x0  }
0x5e: {  	v29 =	vor.u32 v3, v10;
	[tilespmem:s1+$0xFFFFFF50] =	vst v23;
	v21 =	vld.idx.msk [tilespmem:v22+s14+$0x0], $0xffff  }
0x5f: {  	v24 =	vld.idx.msk [tilespmem:v27+s14+$0x0], $0xffff;
	[tilespmem:s0+$0xA0] =	vst v20;
	v20 =	vor.u32 v0, v14  }
0x60: {  	v19 =	vld.idx.msk [tilespmem:v26+s14+$0x0], $0xffff;
	v26 =	vor.u32 v3, v8  }
0x61: {  	v27 =	vor.u32 v7, v17;
	[tilespmem:s0+$0xFFFFFFA0] =	vst v30;
	v22 =	vld.idx.msk [tilespmem:v32+s14+$0x0], $0xffff  }
0x62: {  	s29 =	simm.s32 $0xB;
	s28 =	simm.s32 $0xC;
	s7 =	sshll.u32 s30, $0x1;
	[tilespmem:s0+$0x20] =	vst v31;
	v23 =	vld.idx.msk [tilespmem:v28+s14+$0x0], $0xffff;
	v28 =	vor.u32 v7, v16  }
.LBB2_3:
0x63: {  	p1 =	slt.u32 s28, $0x1C;
	v16 =	vmov s29;
	v17 =	vld.idx.msk [tilespmem:v29+s14+$0x0], $0xffff;
	v29 =	vor.u32 v4, v13;
	[tilespmem:s1+$0xF0] =	vst v25  }
0x64: {  	s29 =	sadd.s32 $0x2, s11;
	s11 =	smov.u32 s28;
	v20 =	vld.idx.msk [tilespmem:v20+s14+$0x0], $0xffff;
	v16 =	vand.u32 $0x1F, v16;
	[tilespmem:s0+$0xFFFFFF20] =	vst v24;
	v24 =	vor.u32 v4, v9  }
0x65: {  	v30 =	vor.u32 v4, v10;
	v25 =	vmov s29;
	v16 =	vbroadcast v16, $0x0;
	v26 =	vld.idx.msk [tilespmem:v26+s14+$0x0], $0xffff;
	[tilespmem:s1+$0xFFFFFFE0] =	vst v18  }
0x66: {  	v18 =	vand.u32 $0x1E, v25;
	v25 =	vor.u32 v7, v12;
	v12 =	vmovc v8;
	v8 =	vmov v11;
	v27 =	vld.idx.msk [tilespmem:v27+s14+$0x0], $0xffff;
	[tilespmem:s1+$0x60] =	vst v21  }
0x67: {  	v31 =	vbroadcast v18, $0x0;
	v18 =	vor.u32 v0, v16;
	[tilespmem:s0+$0xB0] =	vst v22;
	v21 =	vld.idx.msk [tilespmem:v28+s14+$0x0], $0xffff  }
0x68: {  	v22 =	vor.u32 v4, v12;
	[tilespmem:s0+$0xFFFFFFB0] =	vst v23;
	v23 =	vld.idx.msk [tilespmem:v29+s14+$0x0], $0xffff  }
0x69: {  	v11 =	vmov s28;
	v28 =	vor.u32 v0, v31;
	v24 =	vld.idx.msk [tilespmem:v24+s14+$0x0], $0xffff;
	[tilespmem:s0+$0x30] =	vst v17  }
0x6a: {  	v11 =	vand.u32 $0x1C, v11;
	v29 =	vor.u32 v5, v13;
	v17 =	vld.idx.msk [tilespmem:v30+s14+$0x0], $0xffff;
	[tilespmem:s1+$0xFFFFFF60] =	vst v19  }
0x6b: {  	v11 =	vbroadcast v11, $0x0;
	v19 =	vor.u32 v5, v9;
	[tilespmem:s0+$0xFFFFFF30] =	vst v26;
	v25 =	vld.idx.msk [tilespmem:v25+s14+$0x0], $0xffff  }
0x6c: {  	v26 =	vor.u32 v5, v10;
	v18 =	vld.idx.msk [tilespmem:v18+s14+$0x0], $0xffff;
	[tilespmem:s1+$0xFFFFFFF0] =	vst v27  }
0x6d: {  	v27 =	vor.u32 v0, v11;
	v22 =	vld.idx.msk [tilespmem:v22+s14+$0x0], $0xffff;
	[tilespmem:s1+$0x70] =	vst v21  }
0x6e: {  	v21 =	vld.idx.msk [tilespmem:v28+s14+$0x0], $0xffff;
	v28 =	vor.u32 v1, v16;
	[tilespmem:s0+$0xC0] =	vst v23  }
0x6f: {  	v23 =	vor.u32 v1, v14;
	[tilespmem:s0+$0xFFFFFFC0] =	vst v24;
	v24 =	vld.idx.msk [tilespmem:v29+s14+$0x0], $0xffff  }
0x70: {  	v29 =	vor.u32 v1, v31;
	v19 =	vld.idx.msk [tilespmem:v19+s14+$0x0], $0xffff;
	[tilespmem:s0+$0x40] =	vst v17  }
0x71: {  	v17 =	vld.idx.msk [tilespmem:v26+s14+$0x0], $0xffff;
	v26 =	vor.u32 v6, v13;
	[tilespmem:s1+$0xFFFFFF70] =	vst v25;
	s1 =	smov.u32 s0;
	s0 =	sadd.s32 $0x200, s0  }
0x72: {  	v25 =	vld.idx.msk [tilespmem:v27+s14+$0x0], $0xffff;
	v27 =	vor.u32 v1, v8;
	[tilespmem:s0+$0x80] =	vst v18  }
0x73: {  	[tilespmem:s0+$0xFFFFFF80] =	vst v20;
	v18 =	vld.idx.msk [tilespmem:v28+s14+$0x0], $0xffff;
	v20 =	vor.u32 v5, v12  }
0x74: {  	v23 =	vld.idx.msk [tilespmem:v23+s14+$0x0], $0xffff;
	[tilespmem:s0+$0x0] =	vst v21;
	v21 =	vor.u32 v6, v9  }
0x75: {  	v28 =	vld.idx.msk [tilespmem:v29+s14+$0x0], $0xffff;
	v29 =	vor.u32 v2, v16;
	[tilespmem:s1+$0xD0] =	vst v24  }
0x76: {  	v24 =	vor.u32 v2, v14;
	[tilespmem:s0+$0xFFFFFF00] =	vst v15;
	v26 =	vld.idx.msk [tilespmem:v26+s14+$0x0], $0xffff  }
0x77: {  	v30 =	vor.u32 v2, v31;
	v27 =	vld.idx.msk [tilespmem:v27+s14+$0x0], $0xffff;
	[tilespmem:s1+$0xFFFFFF40] =	vst v22  }
0x78: {  	v15 =	vmov v25;
	v22 =	vld.idx.msk [tilespmem:v20+s14+$0x0], $0xffff;
	[tilespmem:s1+$0xFFFFFFD0] =	vst v19;
	v19 =	vor.u32 v7, v13;
	v13 =	vmov v16  }
0x79: {  	v16 =	vor.u32 v2, v8;
	[tilespmem:s0+$0x90] =	vst v18;
	v18 =	vld.idx.msk [tilespmem:v21+s14+$0x0], $0xffff  }
0x7a: {  	s29 =	sadd.s32 $0x1, s28;
	v21 =	vor.u32 v6, v10;
	[tilespmem:s0+$0xFFFFFF90] =	vst v23;
	v23 =	vld.idx.msk [tilespmem:v29+s14+$0x0], $0xffff  }
0x7b: {  	v20 =	vmov s29;
	v32 =	vld.idx.msk [tilespmem:v24+s14+$0x0], $0xffff;
	[tilespmem:s0+$0x10] =	vst v28;
	v28 =	vor.u32 v6, v12  }
0x7c: {  	v20 =	vand.u32 $0x1D, v20;
	v33 =	vor.u32 v3, v13;
	v30 =	vld.idx.msk [tilespmem:v30+s14+$0x0], $0xffff;
	[tilespmem:s1+$0xE0] =	vst v26  }
0x7d: {  	v35 =	vor.u32 v3, v14;
	v34 =	vbroadcast v20, $0x0;
	[tilespmem:s0+$0xFFFFFF10] =	vst v27;
	v25 =	vld.idx.msk [tilespmem:v19+s14+$0x0], $0xffff  }
.Ltmp0:
0x7e: {  	v29 =	vor.u32 v3, v31;
	v24 =	vld.idx.msk [tilespmem:v16+s14+$0x0], $0xffff;
	[tilespmem:s1+$0x50] =	vst v17;
	(pc) =	sbr.rel @p1 .LBB2_3-.Ltmp0, $4  }
0x7f: {  	v20 =	vor.u32 v0, v34;
	[tilespmem:s1+$0xFFFFFF50] =	vst v22;
	v21 =	vld.idx.msk [tilespmem:v21+s14+$0x0], $0xffff  }
0x80: {  	v26 =	vor.u32 v3, v8;
	[tilespmem:s0+$0xA0] =	vst v23;
	v19 =	vld.idx.msk [tilespmem:v28+s14+$0x0], $0xffff  }
0x81: {  	v27 =	vor.u32 v7, v9;
	v9 =	vmov v14;
	v14 =	vmov v34;
	[tilespmem:s0+$0xFFFFFFA0] =	vst v32;
	v22 =	vld.idx.msk [tilespmem:v33+s14+$0x0], $0xffff  }
0x82: {  	s28 =	sadd.s32 $0x4, s28;
	s29 =	sadd.s32 $0x3, s11;
	v28 =	vor.u32 v7, v10;
	v10 =	vmov v31;
	v23 =	vld.idx.msk [tilespmem:v35+s14+$0x0], $0xffff;
	[tilespmem:s0+$0x20] =	vst v30  }
0x83: {  	_ = 	snop  }
0x84: {  	[tilespmem:s1+$0xF0] =	vst v25  }
0x85: {  	[tilespmem:s0+$0xFFFFFF20] =	vst v24  }
0x86: {  	v16 =	vmov s29;
	s11 =	sadd.s32 $0x2, s11;
	[tilespmem:s1+$0xFFFFFFE0] =	vst v18  }
0x87: {  	v62 =	vld.idx.msk [tilespmem:v29+s14+$0x0], $0xffff;
	v63 =	vor.u32 v4, v13;
	s29 =	sadd.s32 $0x200, s0;
	v16 =	vand.u32 $0x1F, v16;
	v30 =	vmov s11;
	[tilespmem:s1+$0x60] =	vst v21  }
0x88: {  	v33 =	vor.u32 v4, v9;
	v20 =	vld.idx.msk [tilespmem:v20+s14+$0x0], $0xffff;
	[tilespmem:s29+$0xFFFFFF00] =	vst v15;
	v17 =	vbroadcast v16, $0x0;
	v36 =	vand.u32 $0x1E, v30  }
0x89: {  	v12 =	vor.u32 v7, v12;
	v34 =	vld.idx.msk [tilespmem:v26+s14+$0x0], $0xffff;
	[tilespmem:s1+$0xFFFFFF60] =	vst v19;
	v16 =	vbroadcast v36, $0x0  }
0x8a: {  	v37 =	vld.idx.msk [tilespmem:v27+s14+$0x0], $0xffff;
	[tilespmem:s0+$0xB0] =	vst v22;
	v38 =	vor.u32 v0, v17  }
0x8b: {  	v39 =	vld.idx.msk [tilespmem:v28+s14+$0x0], $0xffff;
	[tilespmem:s0+$0xFFFFFFB0] =	vst v23;
	v41 =	vor.u32 v0, v16  }
0x8c: {  	v49 =	vor.u32 v1, v11;
	v40 =	vld.idx.msk [tilespmem:v63+s14+$0x0], $0xffff;
	[tilespmem:s0+$0x30] =	vst v62  }
0x8d: {  	v35 =	vor.u32 v4, v10;
	v24 =	vld.idx.msk [tilespmem:v33+s14+$0x0], $0xffff;
	[tilespmem:s29+$0xFFFFFF80] =	vst v20  }
0x8e: {  	v47 =	vor.u32 v1, v14;
	v12 =	vld.idx.msk [tilespmem:v12+s14+$0x0], $0xffff;
	[tilespmem:s0+$0xFFFFFF30] =	vst v34  }
0x8f: {  	v43 =	vor.u32 v5, v13;
	[tilespmem:s1+$0xFFFFFFF0] =	vst v37;
	v44 =	vld.idx.msk [tilespmem:v38+s14+$0x0], $0xffff  }
0x90: {  	v45 =	vor.u32 v1, v17;
	[tilespmem:s1+$0x70] =	vst v39;
	v46 =	vld.idx.msk [tilespmem:v41+s14+$0x0], $0xffff  }
0x91: {  	v48 =	vor.u32 v1, v16;
	v57 =	vld.idx.msk [tilespmem:v49+s14+$0x0], $0xffff;
	[tilespmem:s0+$0xC0] =	vst v40  }
0x92: {  	v50 =	vor.u32 v4, v8;
	v42 =	vld.idx.msk [tilespmem:v35+s14+$0x0], $0xffff;
	[tilespmem:s0+$0xFFFFFFC0] =	vst v24  }
0x93: {  	v51 =	vor.u32 v5, v9;
	v53 =	vld.idx.msk [tilespmem:v47+s14+$0x0], $0xffff;
	[tilespmem:s1+$0xFFFFFF70] =	vst v12  }
0x94: {  	v56 =	vor.u32 v2, v14;
	v18 =	vld.idx.msk [tilespmem:v43+s14+$0x0], $0xffff;
	[tilespmem:s29+$0x80] =	vst v44  }
0x95: {  	v60 =	vor.u32 v2, v11;
	v52 =	vld.idx.msk [tilespmem:v45+s14+$0x0], $0xffff;
	[tilespmem:s29+$0x0] =	vst v46  }
0x96: {  	v54 =	vor.u32 v2, v17;
	[tilespmem:s29+$0xFFFFFF10] =	vst v57;
	v55 =	vld.idx.msk [tilespmem:v48+s14+$0x0], $0xffff  }
0x97: {  	v58 =	vor.u32 v2, v16;
	v59 =	vld.idx.msk [tilespmem:v50+s14+$0x0], $0xffff;
	[tilespmem:s0+$0x40] =	vst v42  }
0x98: {  	v62 =	vor.u32 v5, v10;
	v25 =	vld.idx.msk [tilespmem:v51+s14+$0x0], $0xffff;
	[tilespmem:s29+$0xFFFFFF90] =	vst v53  }
0x99: {  	v61 =	vor.u32 v6, v13;
	v15 =	vld.idx.msk [tilespmem:v56+s14+$0x0], $0xffff;
	[tilespmem:s0+$0xD0] =	vst v18  }
0x9a: {  	v29 =	vor.u32 v3, v14;
	v18 =	vld.idx.msk [tilespmem:v60+s14+$0x0], $0xffff;
	[tilespmem:s29+$0x90] =	vst v52  }
0x9b: {  	v32 =	vor.u32 v3, v11;
	v63 =	vld.idx.msk [tilespmem:v54+s14+$0x0], $0xffff;
	[tilespmem:s29+$0x10] =	vst v55  }
0x9c: {  	v28 =	vor.u32 v3, v17;
	[tilespmem:s0+$0xFFFFFF40] =	vst v59;
	v19 =	vld.idx.msk [tilespmem:v58+s14+$0x0], $0xffff  }
0x9d: {  	v30 =	vor.u32 v3, v16;
	v20 =	vld.idx.msk [tilespmem:v62+s14+$0x0], $0xffff;
	[tilespmem:s0+$0xFFFFFFD0] =	vst v25  }
0x9e: {  	v33 =	vor.u32 v5, v8;
	v31 =	vld.idx.msk [tilespmem:v61+s14+$0x0], $0xffff;
	[tilespmem:s29+$0xFFFFFFA0] =	vst v15  }
0x9f: {  	v34 =	vor.u32 v7, v13;
	v12 =	vld.idx.msk [tilespmem:v29+s14+$0x0], $0xffff;
	[tilespmem:s29+$0xFFFFFF20] =	vst v18  }
0xa0: {  	v38 =	vor.u32 v4, v14;
	v39 =	vld.idx.msk [tilespmem:v32+s14+$0x0], $0xffff;
	[tilespmem:s29+$0xA0] =	vst v63  }
0xa1: {  	v42 =	vor.u32 v4, v11;
	v35 =	vld.idx.msk [tilespmem:v28+s14+$0x0], $0xffff;
	[tilespmem:s29+$0x20] =	vst v19  }
0xa2: {  	v36 =	vor.u32 v4, v17;
	[tilespmem:s0+$0x50] =	vst v20;
	v37 =	vld.idx.msk [tilespmem:v30+s14+$0x0], $0xffff  }
0xa3: {  	v40 =	vor.u32 v4, v16;
	v41 =	vld.idx.msk [tilespmem:v33+s14+$0x0], $0xffff;
	[tilespmem:s0+$0xE0] =	vst v31  }
0xa4: {  	v43 =	vor.u32 v6, v9;
	v13 =	vld.idx.msk [tilespmem:v34+s14+$0x0], $0xffff;
	[tilespmem:s29+$0xFFFFFFB0] =	vst v12  }
0xa5: {  	v44 =	vor.u32 v6, v10;
	v18 =	vld.idx.msk [tilespmem:v38+s14+$0x0], $0xffff;
	[tilespmem:s29+$0xFFFFFF30] =	vst v39  }
0xa6: {  	v47 =	vor.u32 v5, v14;
	v20 =	vld.idx.msk [tilespmem:v42+s14+$0x0], $0xffff;
	[tilespmem:s29+$0xB0] =	vst v35  }
0xa7: {  	v50 =	vor.u32 v5, v11;
	v45 =	vld.idx.msk [tilespmem:v36+s14+$0x0], $0xffff;
	[tilespmem:s29+$0x30] =	vst v37  }
0xa8: {  	v46 =	vor.u32 v5, v17;
	[tilespmem:s0+$0xFFFFFF50] =	vst v41;
	v21 =	vld.idx.msk [tilespmem:v40+s14+$0x0], $0xffff  }
0xa9: {  	v48 =	vor.u32 v5, v16;
	v49 =	vld.idx.msk [tilespmem:v43+s14+$0x0], $0xffff;
	[tilespmem:s0+$0xF0] =	vst v13  }
0xaa: {  	v51 =	vor.u32 v6, v8;
	v15 =	vld.idx.msk [tilespmem:v44+s14+$0x0], $0xffff;
	[tilespmem:s29+$0xFFFFFFC0] =	vst v18  }
0xab: {  	v52 =	vor.u32 v7, v9;
	v18 =	vld.idx.msk [tilespmem:v47+s14+$0x0], $0xffff;
	[tilespmem:s29+$0xFFFFFF40] =	vst v20  }
0xac: {  	v54 =	vor.u32 v6, v14;
	v13 =	vld.idx.msk [tilespmem:v50+s14+$0x0], $0xffff;
	[tilespmem:s29+$0xC0] =	vst v45  }
0xad: {  	v57 =	vor.u32 v6, v11;
	v12 =	vld.idx.msk [tilespmem:v46+s14+$0x0], $0xffff;
	[tilespmem:s29+$0x40] =	vst v21  }
0xae: {  	v53 =	vor.u32 v6, v17;
	[tilespmem:s0+$0xFFFFFFE0] =	vst v49;
	v21 =	vld.idx.msk [tilespmem:v48+s14+$0x0], $0xffff  }
0xaf: {  	v56 =	vld.idx.msk [tilespmem:v51+s14+$0x0], $0xffff;
	v55 =	vor.u32 v6, v16;
	[tilespmem:s0+$0x60] =	vst v15  }
0xb0: {  	v8 =	vor.u32 v7, v8;
	v9 =	vld.idx.msk [tilespmem:v52+s14+$0x0], $0xffff;
	[tilespmem:s29+$0xFFFFFFD0] =	vst v18  }
0xb1: {  	v58 =	vor.u32 v7, v10;
	v18 =	vld.idx.msk [tilespmem:v54+s14+$0x0], $0xffff;
	[tilespmem:s29+$0xFFFFFF50] =	vst v13  }
0xb2: {  	v60 =	vor.u32 v7, v14;
	v15 =	vld.idx.msk [tilespmem:v57+s14+$0x0], $0xffff;
	[tilespmem:s29+$0xD0] =	vst v12  }
0xb3: {  	v61 =	vor.u32 v7, v11;
	v12 =	vld.idx.msk [tilespmem:v53+s14+$0x0], $0xffff;
	[tilespmem:s29+$0x50] =	vst v21  }
0xb4: {  	v17 =	vor.u32 v7, v17;
	[tilespmem:s0+$0xFFFFFF60] =	vst v56;
	v59 =	vld.idx.msk [tilespmem:v55+s14+$0x0], $0xffff  }
0xb5: {  	v16 =	vor.u32 v7, v16;
	v8 =	vld.idx.msk [tilespmem:v8+s14+$0x0], $0xffff;
	[tilespmem:s0+$0xFFFFFFF0] =	vst v9  }
0xb6: {  	v10 =	vld.idx.msk [tilespmem:v58+s14+$0x0], $0xffff;
	[tilespmem:s29+$0xFFFFFFE0] =	vst v18  }
0xb7: {  	v63 =	vld.idx.msk [tilespmem:v60+s14+$0x0], $0xffff;
	[tilespmem:s29+$0xFFFFFF60] =	vst v15  }
0xb8: {  	v9 =	vld.idx.msk [tilespmem:v61+s14+$0x0], $0xffff;
	[tilespmem:s29+$0xE0] =	vst v12  }
0xb9: {  	v62 =	vld.idx.msk [tilespmem:v17+s14+$0x0], $0xffff;
	[tilespmem:s29+$0x60] =	vst v59  }
0xba: {  	[tilespmem:s0+$0xFFFFFF70] =	vst v8;
	v13 =	vld.idx.msk [tilespmem:v16+s14+$0x0], $0xffff  }
0xbb: {  	[tilespmem:s0+$0x70] =	vst v10  }
0xbc: {  	s1 =	sshll.u32 s30, $0x12;
	[tilespmem:s29+$0xFFFFFFF0] =	vst v63  }
0xbd: {  	s0 =	sor.u32 s4, s1;
	[tilespmem:s29+$0xFFFFFF70] =	vst v9  }
0xbe: {  	s0 =	sshrl.u32 s0, $0x3;
	[tilespmem:s29+$0xF0] =	vst v62  }
0xbf: {  	s11 =	sadd.s32 s2, s0;
	[tilespmem:s29+$0x70] =	vst v13  }
0xc0: {  	[hbm4b:s11+s3] =	stream.linear.scatter [tilespmem:s17], [sflag:$0x3], $0x400, $0x38;
	[tilespmem:$0xA100] =	vst v63  }
0xc1: {  	p1 =	sne.s32 s30, $0x18;
	s28 =	sadd.s32 s0, s8  }
0xc2: {  	[hbm4b:s28+s3] =	stream.linear.scatter [tilespmem:s18], [sflag:$0x3], $0x400, $0x38;
	[tilespmem:$0xA100] =	vst v63  }
.Ltmp1:
0xc3: {  	_ = 	snop;
	(pc) =	sbr.rel @p1 .LBB2_6-.Ltmp1, $4  }
0xc4: {  	s29 =	sadd.s32 s0, s9  }
0xc5: {  	[hbm4b:s29+s3] =	stream.linear.scatter [tilespmem:s19], [sflag:$0x3], $0x400, $0x38;
	[tilespmem:$0xA100] =	vst v63  }
0xc6: {  	s0 =	sadd.s32 s0, s10  }
0xc7: {  	[hbm4b:s0+s3] =	stream.linear.scatter [tilespmem:s20], [sflag:$0x3], $0x400, $0x38;
	[tilespmem:$0xA100] =	vst v63  }
.Ltmp2:
0xc8: {  	(pc) =	sbr.rel .LBB2_7-.Ltmp2, $4  }
0xc9: {  	_ = 	snop  }
0xca: {  	_ =	swait.ge [sflag:s21], $0x4000  }
0xcb: {  	[sflag:s21] =	ssyncset.done $0x0  }
0xcc: {  	[sflag:s21] =	ssyncadd.s32 $0xFFFFC000  }
.LBB2_6:
0xcd: {  	s0 =	sadd.s32 $0x2, s7  }
0xce: {  	s1 =	sshll.u32 s0, $0x7;
	s0 =	sshll.u32 s0, $0xC  }
0xcf: {  	s1 =	sand.u32 $0x300, s1;
	s0 =	sand.u32 $0x78000, s0  }
0xd0: {  	s0 =	sor.u32 s0, s1  }
0xd1: {  	s0 =	sor.u32 s4, s0  }
0xd2: {  	s0 =	sshrl.u32 s0, $0x3  }
0xd3: {  	s0 =	sadd.s32 s5, s0  }
0xd4: {  	[tilespmem:s3], [sflag:$0x5] =	stream.linear.gather [hbm4b:s0+s3], $0x80, $0x38;
	[tilespmem:$0xA100] =	vst v63  }
0xd5: {  	_ =	swait.ge [sflag:s12], $0x80  }
0xd6: {  	[sflag:s12] =	ssyncset.done $0x0  }
.Ltmp3:
0xd7: {  	[sflag:s12] =	ssyncadd.s32 $0xFFFFFF80;
	(pc) =	sbr.rel @p0 .LBB2_8-.Ltmp3, $4  }
0xd8: {  	[tilespmem:s14], [sflag:$0x1] =	stream.indirect.gather [hbm4b:s6+s13], $0x80, s3, s13, $0xb8;
	[tilespmem:$0xA100] =	vst v63  }
0xd9: {  	_ =	swait.ge [sflag:s21], $0x4000  }
0xda: {  	[sflag:s21] =	ssyncset.done $0x0  }
0xdb: {  	[sflag:s21] =	ssyncadd.s32 $0xFFFFC000  }
.LBB2_7:
0xdc: {  	_ =	swait.ge [sflag:s22], $0x400  }
0xdd: {  	[sflag:s22] =	ssyncset.done $0x0  }
0xde: {  	[sflag:s22] =	ssyncadd.s32 $0xFFFFFC00  }
0xdf: {  	_ =	swait.ge [sflag:s22], $0x400  }
0xe0: {  	[sflag:s22] =	ssyncset.done $0x0  }
0xe1: {  	[sflag:s22] =	ssyncadd.s32 $0xFFFFFC00  }
0xe2: {  	_ =	swait.ge [sflag:s22], $0x400  }
0xe3: {  	[sflag:s22] =	ssyncset.done $0x0  }
0xe4: {  	[sflag:s22] =	ssyncadd.s32 $0xFFFFFC00  }
0xe5: {  	_ =	swait.ge [sflag:s22], $0x400  }
0xe6: {  	[sflag:s22] =	ssyncset.done $0x0  }
0xe7: {  	[sflag:s22] =	ssyncadd.s32 $0xFFFFFC00  }
.LBB2_8:
0xe8: {  	s0 =	simm.s32 $0x3  }
0xe9: {  	s1 =	simm.s32 $0x1;
	v8 =	vmov s0  }
0xea: {  	s7 =	simm.s32 $0x2;
	v9 =	vmov s1;
	v8 =	vand.u32 $0x1F, v8  }
0xeb: {  	v10 =	vmov s7;
	v9 =	vand.u32 $0x1D, v9;
	v14 =	vbroadcast v8, $0x0  }
0xec: {  	s11 =	simm.s32 $0x0;
	v17 =	vbroadcast v9, $0x0;
	v8 =	vand.u32 $0x1E, v10  }
0xed: {  	v9 =	vmov s11;
	v16 =	vbroadcast v8, $0x0;
	v8 =	vor.u32 v0, v14  }
0xee: {  	v9 =	vand.u32 $0x1C, v9;
	v10 =	vor.u32 v0, v17  }
0xef: {  	v13 =	vbroadcast v9, $0x0;
	v9 =	vor.u32 v0, v16;
	_ =	sdelay $0x1  }
0xf0: {  	v11 =	vor.u32 v0, v13  }
0xf1: {  	v8 =	vld.idx.msk [tilespmem:v8+s15+$0x0], $0xffff  }
0xf2: {  	v12 =	vor.u32 v1, v14;
	v10 =	vld.idx.msk [tilespmem:v10+s15+$0x0], $0xffff  }
0xf3: {  	v15 =	vor.u32 v1, v17;
	v9 =	vld.idx.msk [tilespmem:v9+s15+$0x0], $0xffff  }
0xf4: {  	v18 =	vor.u32 v1, v16  }
0xf5: {  	s1 =	simm.s32 $0x9200;
	v11 =	vld.idx.msk [tilespmem:v11+s15+$0x0], $0xffff  }
0xf6: {  	v19 =	vor.u32 v1, v13;
	[tilespmem:s1+$0x80] =	vst v8  }
0xf7: {  	[tilespmem:s1+$0xFFFFFF80] =	vst v10;
	v8 =	vld.idx.msk [tilespmem:v12+s15+$0x0], $0xffff  }
0xf8: {  	v10 =	vld.idx.msk [tilespmem:v15+s15+$0x0], $0xffff;
	[tilespmem:s1+$0x0] =	vst v9;
	v9 =	vor.u32 v2, v14  }
0xf9: {  	v15 =	vor.u32 v2, v17;
	v12 =	vld.idx.msk [tilespmem:v18+s15+$0x0], $0xffff  }
0xfa: {  	[tilespmem:s1+$0xFFFFFF00] =	vst v11;
	v11 =	vor.u32 v2, v16  }
0xfb: {  	v18 =	vld.idx.msk [tilespmem:v19+s15+$0x0], $0xffff  }
0xfc: {  	s29 =	simm.s32 $0x4;
	v19 =	vor.u32 v2, v13;
	[tilespmem:s1+$0x90] =	vst v8  }
0xfd: {  	v8 =	vmov s29;
	[tilespmem:s1+$0xFFFFFF90] =	vst v10;
	v10 =	vld.idx.msk [tilespmem:v9+s15+$0x0], $0xffff  }
0xfe: {  	s7 =	simm.s32 $0x5;
	v8 =	vand.u32 $0x1C, v8;
	v15 =	vld.idx.msk [tilespmem:v15+s15+$0x0], $0xffff;
	[tilespmem:s1+$0x10] =	vst v12;
	v12 =	vor.u32 v3, v14  }
0xff: {  	v20 =	vor.u32 v3, v17;
	v9 =	vmov s7;
	v8 =	vbroadcast v8, $0x0;
	v11 =	vld.idx.msk [tilespmem:v11+s15+$0x0], $0xffff  }
0x100: {  	v9 =	vand.u32 $0x1D, v9;
	[tilespmem:s1+$0xFFFFFF10] =	vst v18;
	v18 =	vor.u32 v3, v16  }
0x101: {  	v9 =	vbroadcast v9, $0x0;
	v19 =	vld.idx.msk [tilespmem:v19+s15+$0x0], $0xffff;
	v21 =	vor.u32 v0, v8  }
0x102: {  	s11 =	simm.s32 $0x7;
	v22 =	vor.u32 v3, v13;
	[tilespmem:s1+$0xA0] =	vst v10  }
0x103: {  	s29 =	simm.s32 $0x6;
	v23 =	vor.u32 v0, v9;
	[tilespmem:s1+$0xFFFFFFA0] =	vst v15;
	v10 =	vmov s11;
	v15 =	vld.idx.msk [tilespmem:v12+s15+$0x0], $0xffff  }
0x104: {  	v25 =	vmov s29;
	v20 =	vld.idx.msk [tilespmem:v20+s15+$0x0], $0xffff;
	[tilespmem:s1+$0x20] =	vst v11;
	v11 =	vor.u32 v4, v14;
	v10 =	vand.u32 $0x1F, v10  }
0x105: {  	v24 =	vor.u32 v4, v17;
	v18 =	vld.idx.msk [tilespmem:v18+s15+$0x0], $0xffff;
	v12 =	vbroadcast v10, $0x0;
	v10 =	vand.u32 $0x1E, v25  }
0x106: {  	[tilespmem:s1+$0xFFFFFF20] =	vst v19;
	v19 =	vor.u32 v4, v16;
	v21 =	vld.idx.msk [tilespmem:v21+s15+$0x0], $0xffff;
	v10 =	vbroadcast v10, $0x0  }
0x107: {  	v22 =	vld.idx.msk [tilespmem:v22+s15+$0x0], $0xffff;
	v25 =	vor.u32 v0, v12  }
0x108: {  	v23 =	vld.idx.msk [tilespmem:v23+s15+$0x0], $0xffff;
	v26 =	vor.u32 v0, v10;
	[tilespmem:s1+$0xB0] =	vst v15  }
0x109: {  	s7 =	simm.s32 $0x8;
	v15 =	vor.u32 v4, v13;
	[tilespmem:s1+$0xFFFFFFB0] =	vst v20;
	v20 =	vld.idx.msk [tilespmem:v11+s15+$0x0], $0xffff  }
0x10a: {  	v11 =	vmov s7;
	v24 =	vld.idx.msk [tilespmem:v24+s15+$0x0], $0xffff;
	[tilespmem:s1+$0x30] =	vst v18;
	v18 =	vor.u32 v5, v14  }
0x10b: {  	v27 =	vor.u32 v5, v17;
	v11 =	vand.u32 $0x1C, v11;
	v19 =	vld.idx.msk [tilespmem:v19+s15+$0x0], $0xffff  }
0x10c: {  	[tilespmem:s1+$0xFFFFFF30] =	vst v22;
	v11 =	vbroadcast v11, $0x0;
	v22 =	vld.idx.msk [tilespmem:v25+s15+$0x0], $0xffff;
	v25 =	vor.u32 v5, v16  }
0x10d: {  	v30 =	vor.u32 v1, v12;
	v26 =	vld.idx.msk [tilespmem:v26+s15+$0x0], $0xffff  }
0x10e: {  	v28 =	vor.u32 v0, v11;
	v29 =	vld.idx.msk [tilespmem:v15+s15+$0x0], $0xffff;
	[tilespmem:s1+$0xC0] =	vst v20  }
0x10f: {  	v20 =	vor.u32 v1, v9;
	[tilespmem:s1+$0xFFFFFFC0] =	vst v24;
	v18 =	vld.idx.msk [tilespmem:v18+s15+$0x0], $0xffff  }
0x110: {  	s0 =	simm.s32 $0x9400;
	v24 =	vor.u32 v1, v10;
	v27 =	vld.idx.msk [tilespmem:v27+s15+$0x0], $0xffff;
	[tilespmem:s1+$0x40] =	vst v19  }
0x111: {  	v19 =	vld.idx.msk [tilespmem:v25+s15+$0x0], $0xffff;
	v25 =	vor.u32 v6, v14;
	[tilespmem:s0+$0x80] =	vst v22  }
0x112: {  	[tilespmem:s0+$0xFFFFFF80] =	vst v23;
	v23 =	vor.u32 v5, v13;
	v22 =	vld.idx.msk [tilespmem:v30+s15+$0x0], $0xffff  }
0x113: {  	[tilespmem:s0+$0xFFFFFF00] =	vst v21;
	v15 =	vld.idx.msk [tilespmem:v28+s15+$0x0], $0xffff;
	v28 =	vor.u32 v1, v8  }
0x114: {  	[tilespmem:s0+$0x0] =	vst v26;
	v26 =	vor.u32 v6, v17;
	v20 =	vld.idx.msk [tilespmem:v20+s15+$0x0], $0xffff  }
0x115: {  	v30 =	vor.u32 v2, v12;
	v24 =	vld.idx.msk [tilespmem:v24+s15+$0x0], $0xffff;
	[tilespmem:s1+$0xD0] =	vst v18  }
0x116: {  	v21 =	vor.u32 v2, v9;
	[tilespmem:s1+$0xFFFFFF40] =	vst v29;
	v25 =	vld.idx.msk [tilespmem:v25+s15+$0x0], $0xffff  }
0x117: {  	v14 =	vor.u32 v7, v14;
	v23 =	vld.idx.msk [tilespmem:v23+s15+$0x0], $0xffff;
	[tilespmem:s1+$0xFFFFFFD0] =	vst v27  }
0x118: {  	v31 =	vor.u32 v2, v10;
	[tilespmem:s0+$0x90] =	vst v22;
	v28 =	vld.idx.msk [tilespmem:v28+s15+$0x0], $0xffff  }
0x119: {  	v32 =	vor.u32 v6, v13;
	v18 =	vld.idx.msk [tilespmem:v26+s15+$0x0], $0xffff;
	[tilespmem:s0+$0xFFFFFF90] =	vst v20  }
0x11a: {  	s11 =	simm.s32 $0x9;
	v27 =	vor.u32 v2, v8;
	v20 =	vld.idx.msk [tilespmem:v30+s15+$0x0], $0xffff;
	[tilespmem:s0+$0x10] =	vst v24  }
0x11b: {  	v22 =	vor.u32 v6, v16;
	v30 =	vld.idx.msk [tilespmem:v21+s15+$0x0], $0xffff;
	v21 =	vmov s11;
	[tilespmem:s1+$0xE0] =	vst v25  }
0x11c: {  	v33 =	vor.u32 v3, v12;
	[tilespmem:s1+$0xFFFFFF50] =	vst v23;
	v26 =	vld.idx.msk [tilespmem:v14+s15+$0x0], $0xffff;
	v14 =	vand.u32 $0x1D, v21  }
0x11d: {  	v31 =	vld.idx.msk [tilespmem:v31+s15+$0x0], $0xffff;
	[tilespmem:s0+$0xFFFFFF10] =	vst v28;
	v28 =	vor.u32 v3, v9;
	v14 =	vbroadcast v14, $0x0  }
0x11e: {  	v29 =	vor.u32 v3, v10;
	[tilespmem:s1+$0x50] =	vst v19;
	v19 =	vld.idx.msk [tilespmem:v32+s15+$0x0], $0xffff  }
0x11f: {  	v24 =	vld.idx.msk [tilespmem:v27+s15+$0x0], $0xffff;
	[tilespmem:s0+$0xA0] =	vst v20;
	v20 =	vor.u32 v0, v14  }
0x120: {  	v21 =	vld.idx.msk [tilespmem:v22+s15+$0x0], $0xffff;
	v27 =	vor.u32 v3, v8  }
0x121: {  	v25 =	vor.u32 v7, v17;
	[tilespmem:s0+$0xFFFFFFA0] =	vst v30;
	v22 =	vld.idx.msk [tilespmem:v33+s15+$0x0], $0xffff  }
0x122: {  	s28 =	simm.s32 $0xB;
	s11 =	simm.s32 $0xC;
	[tilespmem:s0+$0x20] =	vst v31;
	v23 =	vld.idx.msk [tilespmem:v28+s15+$0x0], $0xffff;
	v28 =	vor.u32 v7, v16  }
.LBB2_9:
0x123: {  	p0 =	slt.u32 s11, $0x1C;
	v16 =	vmov s28;
	v17 =	vld.idx.msk [tilespmem:v29+s15+$0x0], $0xffff;
	v29 =	vor.u32 v4, v12;
	[tilespmem:s1+$0xF0] =	vst v26  }
0x124: {  	s28 =	sadd.s32 $0x2, s7;
	s7 =	smov.u32 s11;
	v20 =	vld.idx.msk [tilespmem:v20+s15+$0x0], $0xffff;
	v16 =	vand.u32 $0x1F, v16;
	[tilespmem:s0+$0xFFFFFF20] =	vst v24;
	v24 =	vor.u32 v4, v9  }
0x125: {  	v30 =	vor.u32 v4, v10;
	v26 =	vmov s28;
	v16 =	vbroadcast v16, $0x0;
	v27 =	vld.idx.msk [tilespmem:v27+s15+$0x0], $0xffff;
	[tilespmem:s1+$0xFFFFFFE0] =	vst v18  }
0x126: {  	v18 =	vand.u32 $0x1E, v26;
	v26 =	vor.u32 v7, v13;
	v13 =	vmovc v8;
	v8 =	vmov v11;
	v25 =	vld.idx.msk [tilespmem:v25+s15+$0x0], $0xffff;
	[tilespmem:s1+$0x60] =	vst v21  }
0x127: {  	v31 =	vbroadcast v18, $0x0;
	v18 =	vor.u32 v0, v16;
	[tilespmem:s0+$0xB0] =	vst v22;
	v21 =	vld.idx.msk [tilespmem:v28+s15+$0x0], $0xffff  }
0x128: {  	v22 =	vor.u32 v4, v13;
	[tilespmem:s0+$0xFFFFFFB0] =	vst v23;
	v23 =	vld.idx.msk [tilespmem:v29+s15+$0x0], $0xffff  }
0x129: {  	v11 =	vmov s11;
	v28 =	vor.u32 v0, v31;
	v24 =	vld.idx.msk [tilespmem:v24+s15+$0x0], $0xffff;
	[tilespmem:s0+$0x30] =	vst v17  }
0x12a: {  	v11 =	vand.u32 $0x1C, v11;
	v29 =	vor.u32 v5, v12;
	v17 =	vld.idx.msk [tilespmem:v30+s15+$0x0], $0xffff;
	[tilespmem:s1+$0xFFFFFF60] =	vst v19  }
0x12b: {  	v11 =	vbroadcast v11, $0x0;
	v19 =	vor.u32 v5, v9;
	[tilespmem:s0+$0xFFFFFF30] =	vst v27;
	v26 =	vld.idx.msk [tilespmem:v26+s15+$0x0], $0xffff  }
0x12c: {  	v27 =	vor.u32 v5, v10;
	v18 =	vld.idx.msk [tilespmem:v18+s15+$0x0], $0xffff;
	[tilespmem:s1+$0xFFFFFFF0] =	vst v25  }
0x12d: {  	v25 =	vor.u32 v0, v11;
	v22 =	vld.idx.msk [tilespmem:v22+s15+$0x0], $0xffff;
	[tilespmem:s1+$0x70] =	vst v21  }
0x12e: {  	v21 =	vld.idx.msk [tilespmem:v28+s15+$0x0], $0xffff;
	v28 =	vor.u32 v1, v16;
	[tilespmem:s0+$0xC0] =	vst v23  }
0x12f: {  	v23 =	vor.u32 v1, v14;
	[tilespmem:s0+$0xFFFFFFC0] =	vst v24;
	v24 =	vld.idx.msk [tilespmem:v29+s15+$0x0], $0xffff  }
0x130: {  	v29 =	vor.u32 v1, v31;
	v19 =	vld.idx.msk [tilespmem:v19+s15+$0x0], $0xffff;
	[tilespmem:s0+$0x40] =	vst v17  }
0x131: {  	v17 =	vld.idx.msk [tilespmem:v27+s15+$0x0], $0xffff;
	v27 =	vor.u32 v6, v12;
	[tilespmem:s1+$0xFFFFFF70] =	vst v26;
	s1 =	smov.u32 s0;
	s0 =	sadd.s32 $0x200, s0  }
0x132: {  	v26 =	vor.u32 v1, v8;
	v25 =	vld.idx.msk [tilespmem:v25+s15+$0x0], $0xffff;
	[tilespmem:s0+$0x80] =	vst v18  }
0x133: {  	[tilespmem:s0+$0xFFFFFF80] =	vst v20;
	v18 =	vld.idx.msk [tilespmem:v28+s15+$0x0], $0xffff;
	v20 =	vor.u32 v5, v13  }
0x134: {  	v23 =	vld.idx.msk [tilespmem:v23+s15+$0x0], $0xffff;
	[tilespmem:s0+$0x0] =	vst v21;
	v21 =	vor.u32 v6, v9  }
0x135: {  	v28 =	vld.idx.msk [tilespmem:v29+s15+$0x0], $0xffff;
	v29 =	vor.u32 v2, v16;
	[tilespmem:s1+$0xD0] =	vst v24  }
0x136: {  	v24 =	vor.u32 v2, v14;
	[tilespmem:s0+$0xFFFFFF00] =	vst v15;
	v27 =	vld.idx.msk [tilespmem:v27+s15+$0x0], $0xffff  }
0x137: {  	v30 =	vor.u32 v2, v31;
	v26 =	vld.idx.msk [tilespmem:v26+s15+$0x0], $0xffff;
	[tilespmem:s1+$0xFFFFFF40] =	vst v22  }
0x138: {  	v15 =	vmov v25;
	v22 =	vld.idx.msk [tilespmem:v20+s15+$0x0], $0xffff;
	[tilespmem:s1+$0xFFFFFFD0] =	vst v19;
	v19 =	vor.u32 v7, v12;
	v12 =	vmov v16  }
0x139: {  	v16 =	vor.u32 v2, v8;
	[tilespmem:s0+$0x90] =	vst v18;
	v18 =	vld.idx.msk [tilespmem:v21+s15+$0x0], $0xffff  }
0x13a: {  	s28 =	sadd.s32 $0x1, s11;
	v21 =	vor.u32 v6, v10;
	[tilespmem:s0+$0xFFFFFF90] =	vst v23;
	v23 =	vld.idx.msk [tilespmem:v29+s15+$0x0], $0xffff  }
0x13b: {  	v20 =	vmov s28;
	v25 =	vld.idx.msk [tilespmem:v24+s15+$0x0], $0xffff;
	[tilespmem:s0+$0x10] =	vst v28;
	v28 =	vor.u32 v6, v13  }
0x13c: {  	v20 =	vand.u32 $0x1D, v20;
	v32 =	vor.u32 v3, v12;
	v30 =	vld.idx.msk [tilespmem:v30+s15+$0x0], $0xffff;
	[tilespmem:s1+$0xE0] =	vst v27  }
0x13d: {  	v34 =	vor.u32 v3, v14;
	v33 =	vbroadcast v20, $0x0;
	[tilespmem:s0+$0xFFFFFF10] =	vst v26;
	v26 =	vld.idx.msk [tilespmem:v19+s15+$0x0], $0xffff  }
.Ltmp4:
0x13e: {  	v29 =	vor.u32 v3, v31;
	v24 =	vld.idx.msk [tilespmem:v16+s15+$0x0], $0xffff;
	[tilespmem:s1+$0x50] =	vst v17;
	(pc) =	sbr.rel @p0 .LBB2_9-.Ltmp4, $4  }
0x13f: {  	v20 =	vor.u32 v0, v33;
	[tilespmem:s1+$0xFFFFFF50] =	vst v22;
	v21 =	vld.idx.msk [tilespmem:v21+s15+$0x0], $0xffff  }
0x140: {  	v27 =	vor.u32 v3, v8;
	[tilespmem:s0+$0xA0] =	vst v23;
	v19 =	vld.idx.msk [tilespmem:v28+s15+$0x0], $0xffff  }
0x141: {  	[tilespmem:s0+$0xFFFFFFA0] =	vst v25;
	v22 =	vld.idx.msk [tilespmem:v32+s15+$0x0], $0xffff;
	v25 =	vor.u32 v7, v9;
	v9 =	vmov v14;
	v14 =	vmov v33  }
0x142: {  	s11 =	sadd.s32 $0x4, s11;
	s28 =	sadd.s32 $0x3, s7;
	v28 =	vor.u32 v7, v10;
	v10 =	vmov v31;
	v23 =	vld.idx.msk [tilespmem:v34+s15+$0x0], $0xffff;
	[tilespmem:s0+$0x20] =	vst v30  }
0x143: {  	_ = 	snop  }
0x144: {  	[tilespmem:s1+$0xF0] =	vst v26  }
0x145: {  	[tilespmem:s0+$0xFFFFFF20] =	vst v24  }
0x146: {  	v16 =	vmov s28;
	s7 =	sadd.s32 $0x2, s7;
	[tilespmem:s1+$0xFFFFFFE0] =	vst v18  }
0x147: {  	v63 =	vld.idx.msk [tilespmem:v29+s15+$0x0], $0xffff;
	v33 =	vor.u32 v4, v12;
	s29 =	sadd.s32 $0x200, s0;
	v16 =	vand.u32 $0x1F, v16;
	v30 =	vmov s7;
	[tilespmem:s1+$0x60] =	vst v21  }
0x148: {  	v34 =	vor.u32 v4, v9;
	v20 =	vld.idx.msk [tilespmem:v20+s15+$0x0], $0xffff;
	[tilespmem:s29+$0xFFFFFF00] =	vst v15;
	v17 =	vbroadcast v16, $0x0;
	v37 =	vand.u32 $0x1E, v30  }
0x149: {  	v13 =	vor.u32 v7, v13;
	v35 =	vld.idx.msk [tilespmem:v27+s15+$0x0], $0xffff;
	[tilespmem:s1+$0xFFFFFF60] =	vst v19;
	v16 =	vbroadcast v37, $0x0  }
0x14a: {  	v38 =	vld.idx.msk [tilespmem:v25+s15+$0x0], $0xffff;
	[tilespmem:s0+$0xB0] =	vst v22;
	v39 =	vor.u32 v0, v17  }
0x14b: {  	v40 =	vld.idx.msk [tilespmem:v28+s15+$0x0], $0xffff;
	[tilespmem:s0+$0xFFFFFFB0] =	vst v23;
	v42 =	vor.u32 v0, v16  }
0x14c: {  	v49 =	vor.u32 v1, v11;
	v41 =	vld.idx.msk [tilespmem:v33+s15+$0x0], $0xffff;
	[tilespmem:s0+$0x30] =	vst v63  }
0x14d: {  	v47 =	vor.u32 v1, v14;
	v24 =	vld.idx.msk [tilespmem:v34+s15+$0x0], $0xffff;
	[tilespmem:s29+$0xFFFFFF80] =	vst v20  }
0x14e: {  	v36 =	vor.u32 v4, v10;
	v13 =	vld.idx.msk [tilespmem:v13+s15+$0x0], $0xffff;
	[tilespmem:s0+$0xFFFFFF30] =	vst v35  }
0x14f: {  	v44 =	vor.u32 v5, v12;
	[tilespmem:s1+$0xFFFFFFF0] =	vst v38;
	v25 =	vld.idx.msk [tilespmem:v39+s15+$0x0], $0xffff  }
0x150: {  	v45 =	vor.u32 v1, v17;
	[tilespmem:s1+$0x70] =	vst v40;
	v46 =	vld.idx.msk [tilespmem:v42+s15+$0x0], $0xffff  }
0x151: {  	v48 =	vor.u32 v1, v16;
	v57 =	vld.idx.msk [tilespmem:v49+s15+$0x0], $0xffff;
	[tilespmem:s0+$0xC0] =	vst v41  }
0x152: {  	v50 =	vor.u32 v4, v8;
	v53 =	vld.idx.msk [tilespmem:v47+s15+$0x0], $0xffff;
	[tilespmem:s0+$0xFFFFFFC0] =	vst v24  }
0x153: {  	v56 =	vor.u32 v2, v14;
	v43 =	vld.idx.msk [tilespmem:v36+s15+$0x0], $0xffff;
	[tilespmem:s1+$0xFFFFFF70] =	vst v13  }
0x154: {  	v62 =	vor.u32 v5, v10;
	v18 =	vld.idx.msk [tilespmem:v44+s15+$0x0], $0xffff;
	[tilespmem:s29+$0x80] =	vst v25  }
0x155: {  	v60 =	vor.u32 v2, v11;
	v52 =	vld.idx.msk [tilespmem:v45+s15+$0x0], $0xffff;
	[tilespmem:s29+$0x0] =	vst v46  }
0x156: {  	v54 =	vor.u32 v2, v17;
	[tilespmem:s29+$0xFFFFFF10] =	vst v57;
	v55 =	vld.idx.msk [tilespmem:v48+s15+$0x0], $0xffff  }
0x157: {  	v58 =	vor.u32 v2, v16;
	v59 =	vld.idx.msk [tilespmem:v50+s15+$0x0], $0xffff;
	[tilespmem:s29+$0xFFFFFF90] =	vst v53  }
0x158: {  	v33 =	vor.u32 v5, v8;
	[tilespmem:s0+$0x40] =	vst v43;
	v15 =	vld.idx.msk [tilespmem:v56+s15+$0x0], $0xffff  }
0x159: {  	v61 =	vor.u32 v6, v12;
	v20 =	vld.idx.msk [tilespmem:v62+s15+$0x0], $0xffff;
	[tilespmem:s0+$0xD0] =	vst v18  }
0x15a: {  	v29 =	vor.u32 v3, v14;
	v18 =	vld.idx.msk [tilespmem:v60+s15+$0x0], $0xffff;
	[tilespmem:s29+$0x90] =	vst v52  }
0x15b: {  	v32 =	vor.u32 v3, v11;
	v63 =	vld.idx.msk [tilespmem:v54+s15+$0x0], $0xffff;
	[tilespmem:s29+$0x10] =	vst v55  }
0x15c: {  	v28 =	vor.u32 v3, v17;
	[tilespmem:s0+$0xFFFFFF40] =	vst v59;
	v19 =	vld.idx.msk [tilespmem:v58+s15+$0x0], $0xffff  }
0x15d: {  	v30 =	vor.u32 v3, v16;
	v41 =	vld.idx.msk [tilespmem:v33+s15+$0x0], $0xffff;
	[tilespmem:s29+$0xFFFFFFA0] =	vst v15  }
0x15e: {  	v51 =	vor.u32 v5, v9;
	v31 =	vld.idx.msk [tilespmem:v61+s15+$0x0], $0xffff;
	[tilespmem:s0+$0x50] =	vst v20  }
0x15f: {  	v34 =	vor.u32 v7, v12;
	v13 =	vld.idx.msk [tilespmem:v29+s15+$0x0], $0xffff;
	[tilespmem:s29+$0xFFFFFF20] =	vst v18  }
0x160: {  	v38 =	vor.u32 v4, v14;
	v39 =	vld.idx.msk [tilespmem:v32+s15+$0x0], $0xffff;
	[tilespmem:s29+$0xA0] =	vst v63  }
0x161: {  	v42 =	vor.u32 v4, v11;
	v35 =	vld.idx.msk [tilespmem:v28+s15+$0x0], $0xffff;
	[tilespmem:s29+$0x20] =	vst v19  }
0x162: {  	v36 =	vor.u32 v4, v17;
	[tilespmem:s0+$0xFFFFFF50] =	vst v41;
	v37 =	vld.idx.msk [tilespmem:v30+s15+$0x0], $0xffff  }
0x163: {  	v40 =	vor.u32 v4, v16;
	v25 =	vld.idx.msk [tilespmem:v51+s15+$0x0], $0xffff;
	[tilespmem:s0+$0xE0] =	vst v31  }
0x164: {  	v44 =	vor.u32 v6, v10;
	v12 =	vld.idx.msk [tilespmem:v34+s15+$0x0], $0xffff;
	[tilespmem:s29+$0xFFFFFFB0] =	vst v13  }
0x165: {  	v43 =	vor.u32 v6, v9;
	v18 =	vld.idx.msk [tilespmem:v38+s15+$0x0], $0xffff;
	[tilespmem:s29+$0xFFFFFF30] =	vst v39  }
0x166: {  	v47 =	vor.u32 v5, v14;
	v20 =	vld.idx.msk [tilespmem:v42+s15+$0x0], $0xffff;
	[tilespmem:s29+$0xB0] =	vst v35  }
0x167: {  	v50 =	vor.u32 v5, v11;
	v45 =	vld.idx.msk [tilespmem:v36+s15+$0x0], $0xffff;
	[tilespmem:s29+$0x30] =	vst v37  }
0x168: {  	v46 =	vor.u32 v5, v17;
	[tilespmem:s0+$0xFFFFFFD0] =	vst v25;
	v21 =	vld.idx.msk [tilespmem:v40+s15+$0x0], $0xffff  }
0x169: {  	v48 =	vor.u32 v5, v16;
	v15 =	vld.idx.msk [tilespmem:v44+s15+$0x0], $0xffff;
	[tilespmem:s0+$0xF0] =	vst v12  }
0x16a: {  	v51 =	vor.u32 v6, v8;
	v49 =	vld.idx.msk [tilespmem:v43+s15+$0x0], $0xffff;
	[tilespmem:s29+$0xFFFFFFC0] =	vst v18  }
0x16b: {  	v52 =	vor.u32 v7, v9;
	v18 =	vld.idx.msk [tilespmem:v47+s15+$0x0], $0xffff;
	[tilespmem:s29+$0xFFFFFF40] =	vst v20  }
0x16c: {  	v54 =	vor.u32 v6, v14;
	v12 =	vld.idx.msk [tilespmem:v50+s15+$0x0], $0xffff;
	[tilespmem:s29+$0xC0] =	vst v45  }
0x16d: {  	v57 =	vor.u32 v6, v11;
	v13 =	vld.idx.msk [tilespmem:v46+s15+$0x0], $0xffff;
	[tilespmem:s29+$0x40] =	vst v21  }
0x16e: {  	v53 =	vor.u32 v6, v17;
	[tilespmem:s0+$0x60] =	vst v15;
	v21 =	vld.idx.msk [tilespmem:v48+s15+$0x0], $0xffff  }
0x16f: {  	v56 =	vld.idx.msk [tilespmem:v51+s15+$0x0], $0xffff;
	v55 =	vor.u32 v6, v16;
	[tilespmem:s0+$0xFFFFFFE0] =	vst v49  }
0x170: {  	v8 =	vor.u32 v7, v8;
	v9 =	vld.idx.msk [tilespmem:v52+s15+$0x0], $0xffff;
	[tilespmem:s29+$0xFFFFFFD0] =	vst v18  }
0x171: {  	v58 =	vor.u32 v7, v10;
	v18 =	vld.idx.msk [tilespmem:v54+s15+$0x0], $0xffff;
	[tilespmem:s29+$0xFFFFFF50] =	vst v12  }
0x172: {  	v60 =	vor.u32 v7, v14;
	v15 =	vld.idx.msk [tilespmem:v57+s15+$0x0], $0xffff;
	[tilespmem:s29+$0xD0] =	vst v13  }
0x173: {  	v61 =	vor.u32 v7, v11;
	v13 =	vld.idx.msk [tilespmem:v53+s15+$0x0], $0xffff;
	[tilespmem:s29+$0x50] =	vst v21  }
0x174: {  	v17 =	vor.u32 v7, v17;
	[tilespmem:s0+$0xFFFFFF60] =	vst v56;
	v59 =	vld.idx.msk [tilespmem:v55+s15+$0x0], $0xffff  }
0x175: {  	v16 =	vor.u32 v7, v16;
	v8 =	vld.idx.msk [tilespmem:v8+s15+$0x0], $0xffff;
	[tilespmem:s0+$0xFFFFFFF0] =	vst v9  }
0x176: {  	v10 =	vld.idx.msk [tilespmem:v58+s15+$0x0], $0xffff;
	[tilespmem:s29+$0xFFFFFFE0] =	vst v18  }
0x177: {  	v63 =	vld.idx.msk [tilespmem:v60+s15+$0x0], $0xffff;
	[tilespmem:s29+$0xFFFFFF60] =	vst v15  }
0x178: {  	v9 =	vld.idx.msk [tilespmem:v61+s15+$0x0], $0xffff;
	[tilespmem:s29+$0xE0] =	vst v13  }
0x179: {  	v62 =	vld.idx.msk [tilespmem:v17+s15+$0x0], $0xffff;
	[tilespmem:s29+$0x60] =	vst v59  }
0x17a: {  	[tilespmem:s0+$0xFFFFFF70] =	vst v8;
	v12 =	vld.idx.msk [tilespmem:v16+s15+$0x0], $0xffff  }
0x17b: {  	[tilespmem:s0+$0x70] =	vst v10  }
0x17c: {  	s11 =	sshll.u32 s31, $0x11;
	[tilespmem:s29+$0xFFFFFFF0] =	vst v63  }
0x17d: {  	s0 =	sor.u32 s4, s11;
	[tilespmem:s29+$0xFFFFFF70] =	vst v9  }
0x17e: {  	s0 =	sshrl.u32 s0, $0x3;
	[tilespmem:s29+$0xF0] =	vst v62  }
0x17f: {  	s30 =	sadd.s32 $0x1, s30;
	s28 =	sadd.s32 s2, s0;
	[tilespmem:s29+$0x70] =	vst v12  }
0x180: {  	[hbm4b:s28+s3] =	stream.linear.scatter [tilespmem:s23], [sflag:$0x4], $0x400, $0x38;
	[tilespmem:$0xA100] =	vst v63  }
0x181: {  	p0 =	sne.s32 s30, $0x19;
	s29 =	sadd.s32 s0, s8  }
0x182: {  	[hbm4b:s29+s3] =	stream.linear.scatter [tilespmem:s24], [sflag:$0x4], $0x400, $0x38;
	[tilespmem:$0xA100] =	vst v63  }
.Ltmp5:
0x183: {  	_ = 	snop;
	(pc) =	sbr.rel @p0 .LBB2_2-.Ltmp5, $4  }
0x184: {  	s31 =	sadd.s32 s0, s9  }
0x185: {  	[hbm4b:s31+s3] =	stream.linear.scatter [tilespmem:s25], [sflag:$0x4], $0x400, $0x38;
	[tilespmem:$0xA100] =	vst v63  }
0x186: {  	s0 =	sadd.s32 s0, s10  }
0x187: {  	[hbm4b:s0+s3] =	stream.linear.scatter [tilespmem:s26], [sflag:$0x4], $0x400, $0x38;
	[tilespmem:$0xA100] =	vst v63  }
0x188: {  	s0 =	simm.s32 $0x3  }
0x189: {  	_ =	swait.ge [sflag:s0], $0x400  }
0x18a: {  	[sflag:s0] =	ssyncset.done $0x0  }
0x18b: {  	[sflag:s0] =	ssyncadd.s32 $0xFFFFFC00  }
0x18c: {  	_ =	swait.ge [sflag:s0], $0x400  }
0x18d: {  	[sflag:s0] =	ssyncset.done $0x0  }
0x18e: {  	[sflag:s0] =	ssyncadd.s32 $0xFFFFFC00  }
0x18f: {  	_ =	swait.ge [sflag:s0], $0x400  }
0x190: {  	[sflag:s0] =	ssyncset.done $0x0  }
0x191: {  	[sflag:s0] =	ssyncadd.s32 $0xFFFFFC00  }
0x192: {  	_ =	swait.ge [sflag:s0], $0x400  }
0x193: {  	[sflag:s0] =	ssyncset.done $0x0  }
0x194: {  	[sflag:s0] =	ssyncadd.s32 $0xFFFFFC00  }
0x195: {  	_ =	swait.ge [sflag:s22], $0x400  }
0x196: {  	[sflag:s22] =	ssyncset.done $0x0  }
0x197: {  	[sflag:s22] =	ssyncadd.s32 $0xFFFFFC00  }
0x198: {  	_ =	swait.ge [sflag:s22], $0x400  }
0x199: {  	[sflag:s22] =	ssyncset.done $0x0  }
0x19a: {  	[sflag:s22] =	ssyncadd.s32 $0xFFFFFC00  }
0x19b: {  	_ =	swait.ge [sflag:s22], $0x400  }
0x19c: {  	[sflag:s22] =	ssyncset.done $0x0  }
0x19d: {  	[sflag:s22] =	ssyncadd.s32 $0xFFFFFC00  }
0x19e: {  	_ =	swait.ge [sflag:s22], $0x400  }
0x19f: {  	s1 =	rddreg [dreg:$0x5]  }
0x1a0: {  	s31 =	rddreg [dreg:$0x4];
	s1 =	sadd.s32 $0x1, s1  }
0x1a1: {  	p0 =	sne.s32 s1, s31  }
.Ltmp6:
0x1a2: {  	_ = 	snop;
	(pc) =	sbr.rel @p0 .LBB2_1-.Ltmp6, $3  }
0x1a3: {  	_ =	sdelay $0x1  }
0x1a4: {  	[sflag:s22] =	ssyncset.done $0x0  }
0x1a5: {  	[sflag:s22] =	ssyncadd.s32 $0xFFFFFC00  }
0x1a6: {  	_ =	sfence.sel $0x180000  }
0x1a7: {  	[bflag:$0x0] =	sbarrier.arrive $0xFFFF  }
0x1a8: {  	_ =	strace $0x90000047  }
0x1a9: {  	s0 =	stileid.u32;
	[bflag:$0x2] =	sbarrier.arrive $0xFFFF  }
0x1aa: {  	p0 =	sne.s32 s0, $0x0;
	s0 =	rddreg [dreg:$0x2]  }
0x1ab: {  	s0 =	sadd.s32 @!p0 $0x100000, s0  }
0x1ac: {  	[sflag:s0] =	ssyncadd.tile.s32 @!p0 $0x1;
	_ =	shalt  }
.Lfunc_end2:
_tile_overlayer_lowered:
.L_overlay_start_2:
0x1ad: {  	(tag) =	ssettag $0x2  }
0x1ae: {  	s0 =	rddreg [dreg:$0x0];
	s2 =	stileid.u32  }
0x1af: {  	s1 =	rddreg [dreg:$0x1];
	p0 =	sne.s32 s2, $0x0  }
0x1b0: {  	s3 =	rddreg [dreg:$0x2];
	[bflag:$0x3] =	sbarrier.arrive $0xFFFF;
	s2 =	simm.s32 @!p0 $0x1C05  }
0x1b1: {  	[timem:s3], [sflag:s2] =	dma.local @!p0 [hbm:s0], s1  }
0x1b2: {  	s0 =	simm.s32 @!p0 $0x5  }
0x1b3: {  	_ =	swait.ge @!p0 [sflag:s0], s1  }
0x1b4: {  	s1 =	ssub.s32 @!p0 $0x0, s1;
	[sflag:s0] =	ssyncset.done @!p0 $0x0  }
0x1b5: {  	[sflag:s0] =	ssyncadd.s32 @!p0 s1  }
0x1b6: {  	[bflag:$0x3] =	sbarrier.arrive $0xFFFF  }
0x1b7: {  	_ =	shalt  }

</sc_bundles>
